<compile_context>
chip_gen: v7x
topology: tpu7x:2x2x1
jax: 0.10.2.dev20260603
libtpu: 0.0.44.dev20260713+nightly
codegen_flags: <defaults>
</compile_context>

<pallas_src>
import jax
import jax.numpy as jnp
from jax import lax
from jax.experimental import pallas as pl
from jax.experimental.pallas import tpu as pltpu
from jax.experimental.pallas import tpu_sc as plsc

_B = 16384
_L = 200
_D = 32
_V = 1001
_W = _D // 2
_STRIDE = 17
_NC = 2
_NS = 16
_LANES = 16
_NW = _NC * _NS
_RPB = _LANES
_NBLK = _B // _RPB
_BPW = _NBLK // _NW
_RPP = 8
_LU = 4

_HI_MASK = -65536


def _sc_body(ids_hbm, tab_hbm, out_hbm, tab_v, ids_v, out_v, cnt_v, sem,
             sem_out):
    wid = lax.axis_index("s") * _NC + lax.axis_index("c")
    pltpu.async_copy(
        ids_hbm.at[pl.ds(wid * _BPW * _RPB, _RPB)], ids_v.at[0], sem)
    pltpu.sync_copy(tab_hbm, tab_v)
    word_iota = lax.iota(jnp.int32, _LANES)
    row_iota = word_iota
    even_idx = word_iota * 2
    odd_idx = even_idx + 1
    lane_consts = [jnp.full((_LANES,), r, jnp.int32) for r in range(_LANES)]
    zf = jnp.zeros((_LANES,), jnp.float32)
    zi = jnp.zeros((_LANES,), jnp.int32)

    gdn = lax.GatherDimensionNumbers(
        offset_dims=(), collapsed_slice_dims=(0,), start_index_map=(0,))

    def splat(vec, r):
        return lax.gather(
            vec, lane_consts[r][:, None], gdn, (1,),
            mode=lax.GatherScatterMode.PROMISE_IN_BOUNDS)

    def block_body(i, carry):
        blk = wid * _BPW + i
        buf = lax.rem(i, 2)
        pltpu.make_async_copy(
            ids_hbm.at[pl.ds(blk * _RPB, _RPB)], ids_v.at[buf], sem).wait()

        @pl.when(i + 1 < _BPW)
        def _prefetch():
            pltpu.async_copy(
                ids_hbm.at[pl.ds((blk + 1) * _RPB, _RPB)],
                ids_v.at[1 - buf], sem)

        bufv = jnp.full((_LANES,), buf, jnp.int32)

        @pl.when(i >= 2)
        def _drain_out():
            pltpu.make_async_copy(
                out_v.at[buf],
                out_hbm.at[pl.ds((blk - 2) * _RPB, _RPB)], sem_out).wait()

        cnt_v[...] = zi
        inv = zf

        for p in range(2):
            r0 = p * _RPP
            init = tuple(zf for _ in range(2 * _RPP))

            def l_body(j, accs, p=p, r0=r0):
                pk = [None] * _RPP
                for u in range(_LU):
                    lpos = jnp.full((_LANES,), j * _LU + u, jnp.int32)
                    ids16 = plsc.load_gather(ids_v, [bufv, row_iota, lpos])
                    if p == 0:
                        plsc.addupdate(
                            cnt_v.at[:], (ids16 != 0).astype(jnp.int32))
                    ids_s = ids16 * _STRIDE
                    for ri in range(_RPP):
                        s = splat(ids_s, r0 + ri)
                        g = plsc.load_gather(tab_v, [s + word_iota])
                        gbf = plsc.bitcast(g, jnp.bfloat16)
                        pk[ri] = gbf if u == 0 else pk[ri] + gbf
                out = []
                for ri in range(_RPP):
                    w = plsc.bitcast(pk[ri], jnp.int32)
                    lo = plsc.bitcast(w << 16, jnp.float32)
                    hi = plsc.bitcast(w & _HI_MASK, jnp.float32)
                    out.append(accs[2 * ri] + lo)
                    out.append(accs[2 * ri + 1] + hi)
                return tuple(out)

            accs = lax.fori_loop(0, _L // _LU, l_body, init)
            if p == 0:
                inv = 1.0 / jnp.maximum(cnt_v[...].astype(jnp.float32), 1.0)
            for ri in range(_RPP):
                r = r0 + ri
                inv_r = splat(inv, r)
                plsc.store_scatter(
                    out_v, [bufv, lane_consts[r], even_idx],
                    accs[2 * ri] * inv_r)
                plsc.store_scatter(
                    out_v, [bufv, lane_consts[r], odd_idx],
                    accs[2 * ri + 1] * inv_r)

        pltpu.async_copy(
            out_v.at[buf], out_hbm.at[pl.ds(blk * _RPB, _RPB)], sem_out)
        return carry

    lax.fori_loop(0, _BPW, block_body, 0)
    for k in (_BPW - 2, _BPW - 1):
        pltpu.make_async_copy(
            out_v.at[k % 2],
            out_hbm.at[pl.ds((wid * _BPW + k) * _RPB, _RPB)], sem_out).wait()


@jax.jit
def kernel(genre_ids_batch, embedding_weight):
    tab_bf = embedding_weight.astype(jnp.bfloat16).reshape(_V, _W, 2)
    tab_packed = jnp.pad(
        lax.bitcast_convert_type(tab_bf, jnp.int32),
        ((0, 0), (0, _STRIDE - _W))).reshape(_V * _STRIDE)
    call = pl.kernel(
        _sc_body,
        out_type=jax.ShapeDtypeStruct((_B, _D), jnp.float32),
        mesh=plsc.VectorSubcoreMesh(
            core_axis_name="c", subcore_axis_name="s",
            num_cores=_NC, num_subcores=_NS),
        scratch_types=[
            pltpu.VMEM((_V * _STRIDE,), jnp.int32),
            pltpu.VMEM((2, _RPB, _L), jnp.int32),
            pltpu.VMEM((2, _RPB, _D), jnp.float32),
            pltpu.VMEM((_LANES,), jnp.int32),
            pltpu.SemaphoreType.DMA,
            pltpu.SemaphoreType.DMA,
        ],
        compiler_params=pltpu.CompilerParams(
            use_tc_tiling_on_sc=False, needs_layout_passes=False),
    )
    return call(genre_ids_batch, tab_packed)

# --- scband reference (transcript-rebuilt; emitter-appended) ---
"""Pipeline reference for scband-genre-embedding-module-49546742726797 (READ-ONLY COPY).

The authoritative reference and input builder live on the scoring server;
editing this copy changes nothing except your own understanding.
"""

import jax, jax.numpy as jnp
import numpy as np

VOCAB = 1001  # 1000 genres + UNK/padding at index 0
EMB_DIM = 32
BATCH = 16384
HIST_LEN = 200


def setup_inputs(seed: int = 0) -> dict:
    key = jax.random.key(seed)
    k1, k2 = jax.random.split(key)
    # Already-mapped, padded genre index matrix (0 = UNK/padding).
    genre_ids_batch = jax.random.randint(k1, (BATCH, HIST_LEN), 0, VOCAB, dtype=jnp.int32)
    # Learned embedding table; padding_idx=0 row is zero, like nn.Embedding(padding_idx=0).
    embedding_weight = jax.random.normal(k2, (VOCAB, EMB_DIM), dtype=jnp.float32)
    embedding_weight = embedding_weight.at[0].set(0.0)
    return {"genre_ids_batch": genre_ids_batch, "embedding_weight": embedding_weight}


def reference(genre_ids_batch, embedding_weight):
    # Embedding gather: [B, L, D]
    emb = jnp.take(embedding_weight, genre_ids_batch, axis=0)
    # Mask out padding / UNK (index 0), matching `padded != 0` in torch.
    mask = (genre_ids_batch != 0)[..., None]
    masked = emb * mask
    summed = masked.sum(axis=1)                      # [B, D]
    count = jnp.maximum(mask.sum(axis=1), 1)         # clamp(min=1), [B, 1]
    mean_emb = summed / count
    return mean_emb

if __name__ == "__main__":
    import jax
    _d = setup_inputs()
    print(jax.jit(kernel)(*tuple(_d.values())))

</pallas_src>

<mosaic_0001>
#map = affine_map<(d0, d1) -> (0, 0)>
#map1 = affine_map<(d0, d1) -> (0)>
module attributes {stable_mosaic.version = 14 : i64} {
  func.func @_sc_body(%arg0: i32, %arg1: i32, %arg2: memref<16384x200xi32, #tpu.memory_space<hbm>>, %arg3: memref<17017xi32, #tpu.memory_space<hbm>>, %arg4: memref<16384x32xf32, #tpu.memory_space<hbm>>, %arg5: memref<17017xi32, #tpu.memory_space<vmem>>, %arg6: memref<2x16x200xi32, #tpu.memory_space<vmem>>, %arg7: memref<2x16x32xf32, #tpu.memory_space<vmem>>, %arg8: memref<16xi32, #tpu.memory_space<vmem>>, %arg9: memref<!tpu.dma_semaphore, #tpu.memory_space<semaphore_mem>>, %arg10: memref<!tpu.dma_semaphore, #tpu.memory_space<semaphore_mem>>) attributes {dimension_semantics = [#tpu.dimension_semantics<core_parallel>, #tpu.dimension_semantics<subcore_parallel>], iteration_bounds = array<i64: 2, 16>, scalar_prefetch = 0 : i64, scratch_operands = 6 : i64, tpu.core_type = #tpu.core_type<sc_vector_subcore>, window_params = [{transform_indices = #map}, {transform_indices = #map1}, {transform_indices = #map}]} {
    %mul3A = arith.constant 2 : i32
    %mul3A_0 = arith.muli %arg1, %mul3A : i32
    %add3A = arith.addi %mul3A_0, %arg0 : i32
    %mul3A_1 = arith.constant 32 : i32
    %mul3A_2 = arith.muli %add3A, %mul3A_1 : i32
    %mul3A_3 = arith.constant 16 : i32
    %mul3A_4 = arith.muli %mul3A_2, %mul3A_3 : i32
    %dma_start3A = arith.constant 0 : i32
    %dma_start3A_5 = arith.constant 0 : i32
    %dma_start3A_6 = arith.constant 0 : i32
    %dma_start3A_7 = tpu.memref_slice %arg6[%dma_start3A, %dma_start3A_5, %dma_start3A_6] : memref<2x16x200xi32, #tpu.memory_space<vmem>> -> memref<1x16x200xi32, #tpu.memory_space<vmem>>
    %dma_start3A_8 = tpu.memref_squeeze %dma_start3A_7 : memref<1x16x200xi32, #tpu.memory_space<vmem>> -> memref<16x200xi32, #tpu.memory_space<vmem>>
    %dma_start3A_9 = arith.constant 0 : i32
    %dma_start3A_10 = tpu.memref_slice %arg2[%mul3A_4, %dma_start3A_9] : memref<16384x200xi32, #tpu.memory_space<hbm>> -> memref<16x200xi32, #tpu.memory_space<hbm>>
    %dma_start3A_11 = arith.constant 0 : i32
    %dma_start3A_12 = arith.constant 0 : i32
    %dma_start3A_13 = tpu.memref_slice %arg6[%dma_start3A, %dma_start3A_11, %dma_start3A_12] : memref<2x16x200xi32, #tpu.memory_space<vmem>> -> memref<1x16x200xi32, #tpu.memory_space<vmem>>
    %dma_start3A_14 = tpu.memref_squeeze %dma_start3A_13 : memref<1x16x200xi32, #tpu.memory_space<vmem>> -> memref<16x200xi32, #tpu.memory_space<vmem>>
    %dma_start3A_15 = arith.constant 0 : i32
    %dma_start3A_16 = tpu.memref_slice %arg2[%mul3A_4, %dma_start3A_15] : memref<16384x200xi32, #tpu.memory_space<hbm>> -> memref<16x200xi32, #tpu.memory_space<hbm>>
    tpu.enqueue_dma source(%dma_start3A_16 : memref<16x200xi32, #tpu.memory_space<hbm>>) target(%dma_start3A_14 : memref<16x200xi32, #tpu.memory_space<vmem>>) target_semaphore(%arg9 : memref<!tpu.dma_semaphore, #tpu.memory_space<semaphore_mem>>)
    "tpu.region"() ({
      %run_scoped3A = tpu.sem_alloc : memref<!tpu.dma_semaphore, #tpu.memory_space<semaphore_mem>>
      tpu.enqueue_dma source(%arg3 : memref<17017xi32, #tpu.memory_space<hbm>>) target(%arg5 : memref<17017xi32, #tpu.memory_space<vmem>>) target_semaphore(%run_scoped3A : memref<!tpu.dma_semaphore, #tpu.memory_space<semaphore_mem>>)
      tpu.wait_dma2 semaphore(%run_scoped3A : memref<!tpu.dma_semaphore, #tpu.memory_space<semaphore_mem>>) src(%arg3 : memref<17017xi32, #tpu.memory_space<hbm>>) dst(%arg5 : memref<17017xi32, #tpu.memory_space<vmem>>)
      tpu.yield
    }) : () -> ()
    %iota3A = tpu.iota {dimensions = array<i32: 0>} : vector<16xi32>
    %mul3A_17 = arith.constant 2 : i32
    %mul3A_18 = vector.broadcast %mul3A_17 : i32 to vector<16xi32>
    %mul3A_19 = arith.muli %iota3A, %mul3A_18 : vector<16xi32>
    %add3A_20 = arith.constant 1 : i32
    %add3A_21 = vector.broadcast %add3A_20 : i32 to vector<16xi32>
    %add3A_22 = arith.addi %mul3A_19, %add3A_21 : vector<16xi32>
    %broadcast_in_dim3A = arith.constant 0 : i32
    %broadcast_in_dim3A_23 = vector.broadcast %broadcast_in_dim3A : i32 to vector<16xi32>
    %broadcast_in_dim3A_24 = arith.constant 1 : i32
    %broadcast_in_dim3A_25 = vector.broadcast %broadcast_in_dim3A_24 : i32 to vector<16xi32>
    %broadcast_in_dim3A_26 = arith.constant 2 : i32
    %broadcast_in_dim3A_27 = vector.broadcast %broadcast_in_dim3A_26 : i32 to vector<16xi32>
    %broadcast_in_dim3A_28 = arith.constant 3 : i32
    %broadcast_in_dim3A_29 = vector.broadcast %broadcast_in_dim3A_28 : i32 to vector<16xi32>
    %broadcast_in_dim3A_30 = arith.constant 4 : i32
    %broadcast_in_dim3A_31 = vector.broadcast %broadcast_in_dim3A_30 : i32 to vector<16xi32>
    %broadcast_in_dim3A_32 = arith.constant 5 : i32
    %broadcast_in_dim3A_33 = vector.broadcast %broadcast_in_dim3A_32 : i32 to vector<16xi32>
    %broadcast_in_dim3A_34 = arith.constant 6 : i32
    %broadcast_in_dim3A_35 = vector.broadcast %broadcast_in_dim3A_34 : i32 to vector<16xi32>
    %broadcast_in_dim3A_36 = arith.constant 7 : i32
    %broadcast_in_dim3A_37 = vector.broadcast %broadcast_in_dim3A_36 : i32 to vector<16xi32>
    %broadcast_in_dim3A_38 = arith.constant 8 : i32
    %broadcast_in_dim3A_39 = vector.broadcast %broadcast_in_dim3A_38 : i32 to vector<16xi32>
    %broadcast_in_dim3A_40 = arith.constant 9 : i32
    %broadcast_in_dim3A_41 = vector.broadcast %broadcast_in_dim3A_40 : i32 to vector<16xi32>
    %broadcast_in_dim3A_42 = arith.constant 10 : i32
    %broadcast_in_dim3A_43 = vector.broadcast %broadcast_in_dim3A_42 : i32 to vector<16xi32>
    %broadcast_in_dim3A_44 = arith.constant 11 : i32
    %broadcast_in_dim3A_45 = vector.broadcast %broadcast_in_dim3A_44 : i32 to vector<16xi32>
    %broadcast_in_dim3A_46 = arith.constant 12 : i32
    %broadcast_in_dim3A_47 = vector.broadcast %broadcast_in_dim3A_46 : i32 to vector<16xi32>
    %broadcast_in_dim3A_48 = arith.constant 13 : i32
    %broadcast_in_dim3A_49 = vector.broadcast %broadcast_in_dim3A_48 : i32 to vector<16xi32>
    %broadcast_in_dim3A_50 = arith.constant 14 : i32
    %broadcast_in_dim3A_51 = vector.broadcast %broadcast_in_dim3A_50 : i32 to vector<16xi32>
    %broadcast_in_dim3A_52 = arith.constant 15 : i32
    %broadcast_in_dim3A_53 = vector.broadcast %broadcast_in_dim3A_52 : i32 to vector<16xi32>
    %broadcast_in_dim3A_54 = arith.constant 0.000000e+00 : f32
    %broadcast_in_dim3A_55 = vector.broadcast %broadcast_in_dim3A_54 : f32 to vector<16xf32>
    %broadcast_in_dim3A_56 = arith.constant 0 : i32
    %broadcast_in_dim3A_57 = vector.broadcast %broadcast_in_dim3A_56 : i32 to vector<16xi32>
    %scan3A = arith.constant 0 : i32
    %scan3A_58 = arith.constant 0 : i32
    %scan3A_59 = arith.constant 32 : i32
    %scan3A_60 = arith.addi %scan3A_58, %scan3A_59 : i32
    %scan3A_61 = arith.constant 1 : i32
    scf.for %scan3A_100 = %scan3A_58 to %scan3A_60 step %scan3A_61  : i32 {
      %mul3A_101 = arith.constant 32 : i32
      %mul3A_102 = arith.muli %add3A, %mul3A_101 : i32
      %add3A_103 = arith.addi %mul3A_102, %scan3A_100 : i32
      %rem3A = arith.constant 2 : i32
      %rem3A_104 = arith.remsi %scan3A_100, %rem3A : i32
      %mul3A_105 = arith.constant 16 : i32
      %mul3A_106 = arith.muli %add3A_103, %mul3A_105 : i32
      %dma_wait3A_107 = arith.constant 0 : i32
      %dma_wait3A_108 = arith.constant 0 : i32
      %dma_wait3A_109 = tpu.memref_slice %arg6[%rem3A_104, %dma_wait3A_107, %dma_wait3A_108] : memref<2x16x200xi32, #tpu.memory_space<vmem>> -> memref<1x16x200xi32, #tpu.memory_space<vmem>>
      %dma_wait3A_110 = tpu.memref_squeeze %dma_wait3A_109 : memref<1x16x200xi32, #tpu.memory_space<vmem>> -> memref<16x200xi32, #tpu.memory_space<vmem>>
      %dma_wait3A_111 = arith.constant 0 : i32
      %dma_wait3A_112 = tpu.memref_slice %arg2[%mul3A_106, %dma_wait3A_111] : memref<16384x200xi32, #tpu.memory_space<hbm>> -> memref<16x200xi32, #tpu.memory_space<hbm>>
      %dma_wait3A_113 = arith.constant 0 : i32
      %dma_wait3A_114 = arith.constant 0 : i32
      %dma_wait3A_115 = tpu.memref_slice %arg6[%rem3A_104, %dma_wait3A_113, %dma_wait3A_114] : memref<2x16x200xi32, #tpu.memory_space<vmem>> -> memref<1x16x200xi32, #tpu.memory_space<vmem>>
      %dma_wait3A_116 = tpu.memref_squeeze %dma_wait3A_115 : memref<1x16x200xi32, #tpu.memory_space<vmem>> -> memref<16x200xi32, #tpu.memory_space<vmem>>
      %dma_wait3A_117 = arith.constant 0 : i32
      %dma_wait3A_118 = tpu.memref_slice %arg2[%mul3A_106, %dma_wait3A_117] : memref<16384x200xi32, #tpu.memory_space<hbm>> -> memref<16x200xi32, #tpu.memory_space<hbm>>
      tpu.wait_dma2 semaphore(%arg9 : memref<!tpu.dma_semaphore, #tpu.memory_space<semaphore_mem>>) src(%dma_wait3A_118 : memref<16x200xi32, #tpu.memory_space<hbm>>) dst(%dma_wait3A_116 : memref<16x200xi32, #tpu.memory_space<vmem>>)
      %add3A_119 = arith.constant 1 : i32
      %add3A_120 = arith.addi %scan3A_100, %add3A_119 : i32
      %lt3A = arith.constant 32 : i32
      %lt3A_121 = arith.cmpi slt, %add3A_120, %lt3A : i32
      %convert_element_type3A = arith.extui %lt3A_121 : i1 to i32
      %cond3A = arith.constant 0 : i32
      %cond3A_122 = arith.cmpi ne, %convert_element_type3A, %cond3A : i32
      scf.if %cond3A_122 {
        %add3A_240 = arith.constant 1 : i32
        %add3A_241 = arith.addi %add3A_103, %add3A_240 : i32
        %mul3A_242 = arith.constant 16 : i32
        %mul3A_243 = arith.muli %add3A_241, %mul3A_242 : i32
        %sub3A = arith.constant 1 : i32
        %sub3A_244 = arith.subi %sub3A, %rem3A_104 : i32
        %dma_start3A_245 = arith.constant 0 : i32
        %dma_start3A_246 = arith.constant 0 : i32
        %dma_start3A_247 = tpu.memref_slice %arg6[%sub3A_244, %dma_start3A_245, %dma_start3A_246] : memref<2x16x200xi32, #tpu.memory_space<vmem>> -> memref<1x16x200xi32, #tpu.memory_space<vmem>>
        %dma_start3A_248 = tpu.memref_squeeze %dma_start3A_247 : memref<1x16x200xi32, #tpu.memory_space<vmem>> -> memref<16x200xi32, #tpu.memory_space<vmem>>
        %dma_start3A_249 = arith.constant 0 : i32
        %dma_start3A_250 = tpu.memref_slice %arg2[%mul3A_243, %dma_start3A_249] : memref<16384x200xi32, #tpu.memory_space<hbm>> -> memref<16x200xi32, #tpu.memory_space<hbm>>
        %dma_start3A_251 = arith.constant 0 : i32
        %dma_start3A_252 = arith.constant 0 : i32
        %dma_start3A_253 = tpu.memref_slice %arg6[%sub3A_244, %dma_start3A_251, %dma_start3A_252] : memref<2x16x200xi32, #tpu.memory_space<vmem>> -> memref<1x16x200xi32, #tpu.memory_space<vmem>>
        %dma_start3A_254 = tpu.memref_squeeze %dma_start3A_253 : memref<1x16x200xi32, #tpu.memory_space<vmem>> -> memref<16x200xi32, #tpu.memory_space<vmem>>
        %dma_start3A_255 = arith.constant 0 : i32
        %dma_start3A_256 = tpu.memref_slice %arg2[%mul3A_243, %dma_start3A_255] : memref<16384x200xi32, #tpu.memory_space<hbm>> -> memref<16x200xi32, #tpu.memory_space<hbm>>
        tpu.enqueue_dma source(%dma_start3A_256 : memref<16x200xi32, #tpu.memory_space<hbm>>) target(%dma_start3A_254 : memref<16x200xi32, #tpu.memory_space<vmem>>) target_semaphore(%arg9 : memref<!tpu.dma_semaphore, #tpu.memory_space<semaphore_mem>>)
      } else {
      }
      %broadcast_in_dim3A_123 = vector.broadcast %rem3A_104 : i32 to vector<16xi32>
      %ge3A = arith.constant 2 : i32
      %ge3A_124 = arith.cmpi sge, %scan3A_100, %ge3A : i32
      %convert_element_type3A_125 = arith.extui %ge3A_124 : i1 to i32
      %cond3A_126 = arith.constant 0 : i32
      %cond3A_127 = arith.cmpi ne, %convert_element_type3A_125, %cond3A_126 : i32
      scf.if %cond3A_127 {
        %sub3A = arith.constant 2 : i32
        %sub3A_240 = arith.subi %add3A_103, %sub3A : i32
        %mul3A_241 = arith.constant 16 : i32
        %mul3A_242 = arith.muli %sub3A_240, %mul3A_241 : i32
        %dma_wait3A_243 = arith.constant 0 : i32
        %dma_wait3A_244 = arith.constant 0 : i32
        %dma_wait3A_245 = tpu.memref_slice %arg7[%rem3A_104, %dma_wait3A_243, %dma_wait3A_244] : memref<2x16x32xf32, #tpu.memory_space<vmem>> -> memref<1x16x32xf32, #tpu.memory_space<vmem>>
        %dma_wait3A_246 = tpu.memref_squeeze %dma_wait3A_245 : memref<1x16x32xf32, #tpu.memory_space<vmem>> -> memref<16x32xf32, #tpu.memory_space<vmem>>
        %dma_wait3A_247 = arith.constant 0 : i32
        %dma_wait3A_248 = tpu.memref_slice %arg4[%mul3A_242, %dma_wait3A_247] : memref<16384x32xf32, #tpu.memory_space<hbm>> -> memref<16x32xf32, #tpu.memory_space<hbm>>
        %dma_wait3A_249 = arith.constant 0 : i32
        %dma_wait3A_250 = tpu.memref_slice %arg4[%mul3A_242, %dma_wait3A_249] : memref<16384x32xf32, #tpu.memory_space<hbm>> -> memref<16x32xf32, #tpu.memory_space<hbm>>
        %dma_wait3A_251 = arith.constant 0 : i32
        %dma_wait3A_252 = arith.constant 0 : i32
        %dma_wait3A_253 = tpu.memref_slice %arg7[%rem3A_104, %dma_wait3A_251, %dma_wait3A_252] : memref<2x16x32xf32, #tpu.memory_space<vmem>> -> memref<1x16x32xf32, #tpu.memory_space<vmem>>
        %dma_wait3A_254 = tpu.memref_squeeze %dma_wait3A_253 : memref<1x16x32xf32, #tpu.memory_space<vmem>> -> memref<16x32xf32, #tpu.memory_space<vmem>>
        tpu.wait_dma2 semaphore(%arg10 : memref<!tpu.dma_semaphore, #tpu.memory_space<semaphore_mem>>) src(%dma_wait3A_254 : memref<16x32xf32, #tpu.memory_space<vmem>>) dst(%dma_wait3A_250 : memref<16x32xf32, #tpu.memory_space<hbm>>)
      } else {
      }
      %swap3A = arith.constant 0 : index
      %swap3A_128 = tpu.vector_load %arg8[%swap3A] {strides = array<i32>} : memref<16xi32, #tpu.memory_space<vmem>>, vector<16xi32>,
      tpu.vector_store %arg8[%swap3A], %broadcast_in_dim3A_57 {strides = array<i32>} : memref<16xi32, #tpu.memory_space<vmem>>, vector<16xi32>,
      %scan3A_129 = arith.constant 0 : i32
      %scan3A_130 = arith.constant 50 : i32
      %scan3A_131 = arith.addi %scan3A_129, %scan3A_130 : i32
      %scan3A_132 = arith.constant 1 : i32
      %scan3A_133:16 = scf.for %scan3A_240 = %scan3A_129 to %scan3A_131 step %scan3A_132 iter_args(%scan3A_241 = %broadcast_in_dim3A_55, %scan3A_242 = %broadcast_in_dim3A_55, %scan3A_243 = %broadcast_in_dim3A_55, %scan3A_244 = %broadcast_in_dim3A_55, %scan3A_245 = %broadcast_in_dim3A_55, %scan3A_246 = %broadcast_in_dim3A_55, %scan3A_247 = %broadcast_in_dim3A_55, %scan3A_248 = %broadcast_in_dim3A_55, %scan3A_249 = %broadcast_in_dim3A_55, %scan3A_250 = %broadcast_in_dim3A_55, %scan3A_251 = %broadcast_in_dim3A_55, %scan3A_252 = %broadcast_in_dim3A_55, %scan3A_253 = %broadcast_in_dim3A_55, %scan3A_254 = %broadcast_in_dim3A_55, %scan3A_255 = %broadcast_in_dim3A_55, %scan3A_256 = %broadcast_in_dim3A_55) -> (vector<16xf32>, vector<16xf32>, vector<16xf32>, vector<16xf32>, vector<16xf32>, vector<16xf32>, vector<16xf32>, vector<16xf32>, vector<16xf32>, vector<16xf32>, vector<16xf32>, vector<16xf32>, vector<16xf32>, vector<16xf32>, vector<16xf32>, vector<16xf32>)  : i32 {
        %mul3A_257 = arith.constant 4 : i32
        %mul3A_258 = arith.muli %scan3A_240, %mul3A_257 : i32
        %add3A_259 = arith.constant 0 : i32
        %add3A_260 = arith.addi %mul3A_258, %add3A_259 : i32
        %broadcast_in_dim3A_261 = vector.broadcast %add3A_260 : i32 to vector<16xi32>
        %gather3A_262 = tpu.vector_load_idx %arg6[%broadcast_in_dim3A_123, %iota3A, %broadcast_in_dim3A_261] : memref<2x16x200xi32, #tpu.memory_space<vmem>>[vector<16xi32>, vector<16xi32>, vector<16xi32>], vector<16xi32>,
        %ne3A = arith.constant 0 : i32
        %ne3A_263 = vector.broadcast %ne3A : i32 to vector<16xi32>
        %ne3A_264 = arith.cmpi ne, %gather3A_262, %ne3A_263 : vector<16xi32>
        %convert_element_type3A_265 = arith.extui %ne3A_264 : vector<16xi1> to vector<16xi32>
        %swap3A_266 = arith.constant 0 : index
        %swap3A_267 = tpu.vector_load %arg8[%swap3A_266] {strides = array<i32>} : memref<16xi32, #tpu.memory_space<vmem>>, vector<16xi32>,
        tpu.vector_store %arg8[%swap3A_266], %convert_element_type3A_265 {add = true, strides = array<i32>} : memref<16xi32, #tpu.memory_space<vmem>>, vector<16xi32>,
        %mul3A_268 = arith.constant 17 : i32
        %mul3A_269 = vector.broadcast %mul3A_268 : i32 to vector<16xi32>
        %mul3A_270 = arith.muli %gather3A_262, %mul3A_269 : vector<16xi32>
        %broadcast_in_dim3A_271 = vector.shape_cast %broadcast_in_dim3A_23 : vector<16xi32> to vector<16x1xi32>
        %gather3A_272 = vector.shape_cast %broadcast_in_dim3A_271 : vector<16x1xi32> to vector<16xi32>
        %gather3A_273 = tpu.dynamic_gather %mul3A_270[%gather3A_272] in [0] : vector<16xi32>, vector<16xi32> -> vector<16xi32>
        %add3A_274 = arith.addi %gather3A_273, %iota3A : vector<16xi32>
        %gather3A_275 = tpu.vector_load_idx %arg5[%add3A_274] : memref<17017xi32, #tpu.memory_space<vmem>>[vector<16xi32>], vector<16xi32>,
        %bitcast3A = vector.bitcast %gather3A_275 : vector<16xi32> to vector<32xbf16>
        %broadcast_in_dim3A_276 = vector.shape_cast %broadcast_in_dim3A_25 : vector<16xi32> to vector<16x1xi32>
        %gather3A_277 = vector.shape_cast %broadcast_in_dim3A_276 : vector<16x1xi32> to vector<16xi32>
        %gather3A_278 = tpu.dynamic_gather %mul3A_270[%gather3A_277] in [0] : vector<16xi32>, vector<16xi32> -> vector<16xi32>
        %add3A_279 = arith.addi %gather3A_278, %iota3A : vector<16xi32>
        %gather3A_280 = tpu.vector_load_idx %arg5[%add3A_279] : memref<17017xi32, #tpu.memory_space<vmem>>[vector<16xi32>], vector<16xi32>,
        %bitcast3A_281 = vector.bitcast %gather3A_280 : vector<16xi32> to vector<32xbf16>
        %broadcast_in_dim3A_282 = vector.shape_cast %broadcast_in_dim3A_27 : vector<16xi32> to vector<16x1xi32>
        %gather3A_283 = vector.shape_cast %broadcast_in_dim3A_282 : vector<16x1xi32> to vector<16xi32>
        %gather3A_284 = tpu.dynamic_gather %mul3A_270[%gather3A_283] in [0] : vector<16xi32>, vector<16xi32> -> vector<16xi32>
        %add3A_285 = arith.addi %gather3A_284, %iota3A : vector<16xi32>
        %gather3A_286 = tpu.vector_load_idx %arg5[%add3A_285] : memref<17017xi32, #tpu.memory_space<vmem>>[vector<16xi32>], vector<16xi32>,
        %bitcast3A_287 = vector.bitcast %gather3A_286 : vector<16xi32> to vector<32xbf16>
        %broadcast_in_dim3A_288 = vector.shape_cast %broadcast_in_dim3A_29 : vector<16xi32> to vector<16x1xi32>
        %gather3A_289 = vector.shape_cast %broadcast_in_dim3A_288 : vector<16x1xi32> to vector<16xi32>
        %gather3A_290 = tpu.dynamic_gather %mul3A_270[%gather3A_289] in [0] : vector<16xi32>, vector<16xi32> -> vector<16xi32>
        %add3A_291 = arith.addi %gather3A_290, %iota3A : vector<16xi32>
        %gather3A_292 = tpu.vector_load_idx %arg5[%add3A_291] : memref<17017xi32, #tpu.memory_space<vmem>>[vector<16xi32>], vector<16xi32>,
        %bitcast3A_293 = vector.bitcast %gather3A_292 : vector<16xi32> to vector<32xbf16>
        %broadcast_in_dim3A_294 = vector.shape_cast %broadcast_in_dim3A_31 : vector<16xi32> to vector<16x1xi32>
        %gather3A_295 = vector.shape_cast %broadcast_in_dim3A_294 : vector<16x1xi32> to vector<16xi32>
        %gather3A_296 = tpu.dynamic_gather %mul3A_270[%gather3A_295] in [0] : vector<16xi32>, vector<16xi32> -> vector<16xi32>
        %add3A_297 = arith.addi %gather3A_296, %iota3A : vector<16xi32>
        %gather3A_298 = tpu.vector_load_idx %arg5[%add3A_297] : memref<17017xi32, #tpu.memory_space<vmem>>[vector<16xi32>], vector<16xi32>,
        %bitcast3A_299 = vector.bitcast %gather3A_298 : vector<16xi32> to vector<32xbf16>
        %broadcast_in_dim3A_300 = vector.shape_cast %broadcast_in_dim3A_33 : vector<16xi32> to vector<16x1xi32>
        %gather3A_301 = vector.shape_cast %broadcast_in_dim3A_300 : vector<16x1xi32> to vector<16xi32>
        %gather3A_302 = tpu.dynamic_gather %mul3A_270[%gather3A_301] in [0] : vector<16xi32>, vector<16xi32> -> vector<16xi32>
        %add3A_303 = arith.addi %gather3A_302, %iota3A : vector<16xi32>
        %gather3A_304 = tpu.vector_load_idx %arg5[%add3A_303] : memref<17017xi32, #tpu.memory_space<vmem>>[vector<16xi32>], vector<16xi32>,
        %bitcast3A_305 = vector.bitcast %gather3A_304 : vector<16xi32> to vector<32xbf16>
        %broadcast_in_dim3A_306 = vector.shape_cast %broadcast_in_dim3A_35 : vector<16xi32> to vector<16x1xi32>
        %gather3A_307 = vector.shape_cast %broadcast_in_dim3A_306 : vector<16x1xi32> to vector<16xi32>
        %gather3A_308 = tpu.dynamic_gather %mul3A_270[%gather3A_307] in [0] : vector<16xi32>, vector<16xi32> -> vector<16xi32>
        %add3A_309 = arith.addi %gather3A_308, %iota3A : vector<16xi32>
        %gather3A_310 = tpu.vector_load_idx %arg5[%add3A_309] : memref<17017xi32, #tpu.memory_space<vmem>>[vector<16xi32>], vector<16xi32>,
        %bitcast3A_311 = vector.bitcast %gather3A_310 : vector<16xi32> to vector<32xbf16>
        %broadcast_in_dim3A_312 = vector.shape_cast %broadcast_in_dim3A_37 : vector<16xi32> to vector<16x1xi32>
        %gather3A_313 = vector.shape_cast %broadcast_in_dim3A_312 : vector<16x1xi32> to vector<16xi32>
        %gather3A_314 = tpu.dynamic_gather %mul3A_270[%gather3A_313] in [0] : vector<16xi32>, vector<16xi32> -> vector<16xi32>
        %add3A_315 = arith.addi %gather3A_314, %iota3A : vector<16xi32>
        %gather3A_316 = tpu.vector_load_idx %arg5[%add3A_315] : memref<17017xi32, #tpu.memory_space<vmem>>[vector<16xi32>], vector<16xi32>,
        %bitcast3A_317 = vector.bitcast %gather3A_316 : vector<16xi32> to vector<32xbf16>
        %mul3A_318 = arith.constant 4 : i32
        %mul3A_319 = arith.muli %scan3A_240, %mul3A_318 : i32
        %add3A_320 = arith.constant 1 : i32
        %add3A_321 = arith.addi %mul3A_319, %add3A_320 : i32
        %broadcast_in_dim3A_322 = vector.broadcast %add3A_321 : i32 to vector<16xi32>
        %gather3A_323 = tpu.vector_load_idx %arg6[%broadcast_in_dim3A_123, %iota3A, %broadcast_in_dim3A_322] : memref<2x16x200xi32, #tpu.memory_space<vmem>>[vector<16xi32>, vector<16xi32>, vector<16xi32>], vector<16xi32>,
        %ne3A_324 = arith.constant 0 : i32
        %ne3A_325 = vector.broadcast %ne3A_324 : i32 to vector<16xi32>
        %ne3A_326 = arith.cmpi ne, %gather3A_323, %ne3A_325 : vector<16xi32>
        %convert_element_type3A_327 = arith.extui %ne3A_326 : vector<16xi1> to vector<16xi32>
        %swap3A_328 = arith.constant 0 : index
        %swap3A_329 = tpu.vector_load %arg8[%swap3A_328] {strides = array<i32>} : memref<16xi32, #tpu.memory_space<vmem>>, vector<16xi32>,
        tpu.vector_store %arg8[%swap3A_328], %convert_element_type3A_327 {add = true, strides = array<i32>} : memref<16xi32, #tpu.memory_space<vmem>>, vector<16xi32>,
        %mul3A_330 = arith.constant 17 : i32
        %mul3A_331 = vector.broadcast %mul3A_330 : i32 to vector<16xi32>
        %mul3A_332 = arith.muli %gather3A_323, %mul3A_331 : vector<16xi32>
        %broadcast_in_dim3A_333 = vector.shape_cast %broadcast_in_dim3A_23 : vector<16xi32> to vector<16x1xi32>
        %gather3A_334 = vector.shape_cast %broadcast_in_dim3A_333 : vector<16x1xi32> to vector<16xi32>
        %gather3A_335 = tpu.dynamic_gather %mul3A_332[%gather3A_334] in [0] : vector<16xi32>, vector<16xi32> -> vector<16xi32>
        %add3A_336 = arith.addi %gather3A_335, %iota3A : vector<16xi32>
        %gather3A_337 = tpu.vector_load_idx %arg5[%add3A_336] : memref<17017xi32, #tpu.memory_space<vmem>>[vector<16xi32>], vector<16xi32>,
        %bitcast3A_338 = vector.bitcast %gather3A_337 : vector<16xi32> to vector<32xbf16>
        %add3A_339 = arith.addf %bitcast3A, %bitcast3A_338 : vector<32xbf16>
        %broadcast_in_dim3A_340 = vector.shape_cast %broadcast_in_dim3A_25 : vector<16xi32> to vector<16x1xi32>
        %gather3A_341 = vector.shape_cast %broadcast_in_dim3A_340 : vector<16x1xi32> to vector<16xi32>
        %gather3A_342 = tpu.dynamic_gather %mul3A_332[%gather3A_341] in [0] : vector<16xi32>, vector<16xi32> -> vector<16xi32>
        %add3A_343 = arith.addi %gather3A_342, %iota3A : vector<16xi32>
        %gather3A_344 = tpu.vector_load_idx %arg5[%add3A_343] : memref<17017xi32, #tpu.memory_space<vmem>>[vector<16xi32>], vector<16xi32>,
        %bitcast3A_345 = vector.bitcast %gather3A_344 : vector<16xi32> to vector<32xbf16>
        %add3A_346 = arith.addf %bitcast3A_281, %bitcast3A_345 : vector<32xbf16>
        %broadcast_in_dim3A_347 = vector.shape_cast %broadcast_in_dim3A_27 : vector<16xi32> to vector<16x1xi32>
        %gather3A_348 = vector.shape_cast %broadcast_in_dim3A_347 : vector<16x1xi32> to vector<16xi32>
        %gather3A_349 = tpu.dynamic_gather %mul3A_332[%gather3A_348] in [0] : vector<16xi32>, vector<16xi32> -> vector<16xi32>
        %add3A_350 = arith.addi %gather3A_349, %iota3A : vector<16xi32>
        %gather3A_351 = tpu.vector_load_idx %arg5[%add3A_350] : memref<17017xi32, #tpu.memory_space<vmem>>[vector<16xi32>], vector<16xi32>,
        %bitcast3A_352 = vector.bitcast %gather3A_351 : vector<16xi32> to vector<32xbf16>
        %add3A_353 = arith.addf %bitcast3A_287, %bitcast3A_352 : vector<32xbf16>
        %broadcast_in_dim3A_354 = vector.shape_cast %broadcast_in_dim3A_29 : vector<16xi32> to vector<16x1xi32>
        %gather3A_355 = vector.shape_cast %broadcast_in_dim3A_354 : vector<16x1xi32> to vector<16xi32>
        %gather3A_356 = tpu.dynamic_gather %mul3A_332[%gather3A_355] in [0] : vector<16xi32>, vector<16xi32> -> vector<16xi32>
        %add3A_357 = arith.addi %gather3A_356, %iota3A : vector<16xi32>
        %gather3A_358 = tpu.vector_load_idx %arg5[%add3A_357] : memref<17017xi32, #tpu.memory_space<vmem>>[vector<16xi32>], vector<16xi32>,
        %bitcast3A_359 = vector.bitcast %gather3A_358 : vector<16xi32> to vector<32xbf16>
        %add3A_360 = arith.addf %bitcast3A_293, %bitcast3A_359 : vector<32xbf16>
        %broadcast_in_dim3A_361 = vector.shape_cast %broadcast_in_dim3A_31 : vector<16xi32> to vector<16x1xi32>
        %gather3A_362 = vector.shape_cast %broadcast_in_dim3A_361 : vector<16x1xi32> to vector<16xi32>
        %gather3A_363 = tpu.dynamic_gather %mul3A_332[%gather3A_362] in [0] : vector<16xi32>, vector<16xi32> -> vector<16xi32>
        %add3A_364 = arith.addi %gather3A_363, %iota3A : vector<16xi32>
        %gather3A_365 = tpu.vector_load_idx %arg5[%add3A_364] : memref<17017xi32, #tpu.memory_space<vmem>>[vector<16xi32>], vector<16xi32>,
        %bitcast3A_366 = vector.bitcast %gather3A_365 : vector<16xi32> to vector<32xbf16>
        %add3A_367 = arith.addf %bitcast3A_299, %bitcast3A_366 : vector<32xbf16>
        %broadcast_in_dim3A_368 = vector.shape_cast %broadcast_in_dim3A_33 : vector<16xi32> to vector<16x1xi32>
        %gather3A_369 = vector.shape_cast %broadcast_in_dim3A_368 : vector<16x1xi32> to vector<16xi32>
        %gather3A_370 = tpu.dynamic_gather %mul3A_332[%gather3A_369] in [0] : vector<16xi32>, vector<16xi32> -> vector<16xi32>
        %add3A_371 = arith.addi %gather3A_370, %iota3A : vector<16xi32>
        %gather3A_372 = tpu.vector_load_idx %arg5[%add3A_371] : memref<17017xi32, #tpu.memory_space<vmem>>[vector<16xi32>], vector<16xi32>,
        %bitcast3A_373 = vector.bitcast %gather3A_372 : vector<16xi32> to vector<32xbf16>
        %add3A_374 = arith.addf %bitcast3A_305, %bitcast3A_373 : vector<32xbf16>
        %broadcast_in_dim3A_375 = vector.shape_cast %broadcast_in_dim3A_35 : vector<16xi32> to vector<16x1xi32>
        %gather3A_376 = vector.shape_cast %broadcast_in_dim3A_375 : vector<16x1xi32> to vector<16xi32>
        %gather3A_377 = tpu.dynamic_gather %mul3A_332[%gather3A_376] in [0] : vector<16xi32>, vector<16xi32> -> vector<16xi32>
        %add3A_378 = arith.addi %gather3A_377, %iota3A : vector<16xi32>
        %gather3A_379 = tpu.vector_load_idx %arg5[%add3A_378] : memref<17017xi32, #tpu.memory_space<vmem>>[vector<16xi32>], vector<16xi32>,
        %bitcast3A_380 = vector.bitcast %gather3A_379 : vector<16xi32> to vector<32xbf16>
        %add3A_381 = arith.addf %bitcast3A_311, %bitcast3A_380 : vector<32xbf16>
        %broadcast_in_dim3A_382 = vector.shape_cast %broadcast_in_dim3A_37 : vector<16xi32> to vector<16x1xi32>
        %gather3A_383 = vector.shape_cast %broadcast_in_dim3A_382 : vector<16x1xi32> to vector<16xi32>
        %gather3A_384 = tpu.dynamic_gather %mul3A_332[%gather3A_383] in [0] : vector<16xi32>, vector<16xi32> -> vector<16xi32>
        %add3A_385 = arith.addi %gather3A_384, %iota3A : vector<16xi32>
        %gather3A_386 = tpu.vector_load_idx %arg5[%add3A_385] : memref<17017xi32, #tpu.memory_space<vmem>>[vector<16xi32>], vector<16xi32>,
        %bitcast3A_387 = vector.bitcast %gather3A_386 : vector<16xi32> to vector<32xbf16>
        %add3A_388 = arith.addf %bitcast3A_317, %bitcast3A_387 : vector<32xbf16>
        %mul3A_389 = arith.constant 4 : i32
        %mul3A_390 = arith.muli %scan3A_240, %mul3A_389 : i32
        %add3A_391 = arith.constant 2 : i32
        %add3A_392 = arith.addi %mul3A_390, %add3A_391 : i32
        %broadcast_in_dim3A_393 = vector.broadcast %add3A_392 : i32 to vector<16xi32>
        %gather3A_394 = tpu.vector_load_idx %arg6[%broadcast_in_dim3A_123, %iota3A, %broadcast_in_dim3A_393] : memref<2x16x200xi32, #tpu.memory_space<vmem>>[vector<16xi32>, vector<16xi32>, vector<16xi32>], vector<16xi32>,
        %ne3A_395 = arith.constant 0 : i32
        %ne3A_396 = vector.broadcast %ne3A_395 : i32 to vector<16xi32>
        %ne3A_397 = arith.cmpi ne, %gather3A_394, %ne3A_396 : vector<16xi32>
        %convert_element_type3A_398 = arith.extui %ne3A_397 : vector<16xi1> to vector<16xi32>
        %swap3A_399 = arith.constant 0 : index
        %swap3A_400 = tpu.vector_load %arg8[%swap3A_399] {strides = array<i32>} : memref<16xi32, #tpu.memory_space<vmem>>, vector<16xi32>,
        tpu.vector_store %arg8[%swap3A_399], %convert_element_type3A_398 {add = true, strides = array<i32>} : memref<16xi32, #tpu.memory_space<vmem>>, vector<16xi32>,
        %mul3A_401 = arith.constant 17 : i32
        %mul3A_402 = vector.broadcast %mul3A_401 : i32 to vector<16xi32>
        %mul3A_403 = arith.muli %gather3A_394, %mul3A_402 : vector<16xi32>
        %broadcast_in_dim3A_404 = vector.shape_cast %broadcast_in_dim3A_23 : vector<16xi32> to vector<16x1xi32>
        %gather3A_405 = vector.shape_cast %broadcast_in_dim3A_404 : vector<16x1xi32> to vector<16xi32>
        %gather3A_406 = tpu.dynamic_gather %mul3A_403[%gather3A_405] in [0] : vector<16xi32>, vector<16xi32> -> vector<16xi32>
        %add3A_407 = arith.addi %gather3A_406, %iota3A : vector<16xi32>
        %gather3A_408 = tpu.vector_load_idx %arg5[%add3A_407] : memref<17017xi32, #tpu.memory_space<vmem>>[vector<16xi32>], vector<16xi32>,
        %bitcast3A_409 = vector.bitcast %gather3A_408 : vector<16xi32> to vector<32xbf16>
        %add3A_410 = arith.addf %add3A_339, %bitcast3A_409 : vector<32xbf16>
        %broadcast_in_dim3A_411 = vector.shape_cast %broadcast_in_dim3A_25 : vector<16xi32> to vector<16x1xi32>
        %gather3A_412 = vector.shape_cast %broadcast_in_dim3A_411 : vector<16x1xi32> to vector<16xi32>
        %gather3A_413 = tpu.dynamic_gather %mul3A_403[%gather3A_412] in [0] : vector<16xi32>, vector<16xi32> -> vector<16xi32>
        %add3A_414 = arith.addi %gather3A_413, %iota3A : vector<16xi32>
        %gather3A_415 = tpu.vector_load_idx %arg5[%add3A_414] : memref<17017xi32, #tpu.memory_space<vmem>>[vector<16xi32>], vector<16xi32>,
        %bitcast3A_416 = vector.bitcast %gather3A_415 : vector<16xi32> to vector<32xbf16>
        %add3A_417 = arith.addf %add3A_346, %bitcast3A_416 : vector<32xbf16>
        %broadcast_in_dim3A_418 = vector.shape_cast %broadcast_in_dim3A_27 : vector<16xi32> to vector<16x1xi32>
        %gather3A_419 = vector.shape_cast %broadcast_in_dim3A_418 : vector<16x1xi32> to vector<16xi32>
        %gather3A_420 = tpu.dynamic_gather %mul3A_403[%gather3A_419] in [0] : vector<16xi32>, vector<16xi32> -> vector<16xi32>
        %add3A_421 = arith.addi %gather3A_420, %iota3A : vector<16xi32>
        %gather3A_422 = tpu.vector_load_idx %arg5[%add3A_421] : memref<17017xi32, #tpu.memory_space<vmem>>[vector<16xi32>], vector<16xi32>,
        %bitcast3A_423 = vector.bitcast %gather3A_422 : vector<16xi32> to vector<32xbf16>
        %add3A_424 = arith.addf %add3A_353, %bitcast3A_423 : vector<32xbf16>
        %broadcast_in_dim3A_425 = vector.shape_cast %broadcast_in_dim3A_29 : vector<16xi32> to vector<16x1xi32>
        %gather3A_426 = vector.shape_cast %broadcast_in_dim3A_425 : vector<16x1xi32> to vector<16xi32>
        %gather3A_427 = tpu.dynamic_gather %mul3A_403[%gather3A_426] in [0] : vector<16xi32>, vector<16xi32> -> vector<16xi32>
        %add3A_428 = arith.addi %gather3A_427, %iota3A : vector<16xi32>
        %gather3A_429 = tpu.vector_load_idx %arg5[%add3A_428] : memref<17017xi32, #tpu.memory_space<vmem>>[vector<16xi32>], vector<16xi32>,
        %bitcast3A_430 = vector.bitcast %gather3A_429 : vector<16xi32> to vector<32xbf16>
        %add3A_431 = arith.addf %add3A_360, %bitcast3A_430 : vector<32xbf16>
        %broadcast_in_dim3A_432 = vector.shape_cast %broadcast_in_dim3A_31 : vector<16xi32> to vector<16x1xi32>
        %gather3A_433 = vector.shape_cast %broadcast_in_dim3A_432 : vector<16x1xi32> to vector<16xi32>
        %gather3A_434 = tpu.dynamic_gather %mul3A_403[%gather3A_433] in [0] : vector<16xi32>, vector<16xi32> -> vector<16xi32>
        %add3A_435 = arith.addi %gather3A_434, %iota3A : vector<16xi32>
        %gather3A_436 = tpu.vector_load_idx %arg5[%add3A_435] : memref<17017xi32, #tpu.memory_space<vmem>>[vector<16xi32>], vector<16xi32>,
        %bitcast3A_437 = vector.bitcast %gather3A_436 : vector<16xi32> to vector<32xbf16>
        %add3A_438 = arith.addf %add3A_367, %bitcast3A_437 : vector<32xbf16>
        %broadcast_in_dim3A_439 = vector.shape_cast %broadcast_in_dim3A_33 : vector<16xi32> to vector<16x1xi32>
        %gather3A_440 = vector.shape_cast %broadcast_in_dim3A_439 : vector<16x1xi32> to vector<16xi32>
        %gather3A_441 = tpu.dynamic_gather %mul3A_403[%gather3A_440] in [0] : vector<16xi32>, vector<16xi32> -> vector<16xi32>
        %add3A_442 = arith.addi %gather3A_441, %iota3A : vector<16xi32>
        %gather3A_443 = tpu.vector_load_idx %arg5[%add3A_442] : memref<17017xi32, #tpu.memory_space<vmem>>[vector<16xi32>], vector<16xi32>,
        %bitcast3A_444 = vector.bitcast %gather3A_443 : vector<16xi32> to vector<32xbf16>
        %add3A_445 = arith.addf %add3A_374, %bitcast3A_444 : vector<32xbf16>
        %broadcast_in_dim3A_446 = vector.shape_cast %broadcast_in_dim3A_35 : vector<16xi32> to vector<16x1xi32>
        %gather3A_447 = vector.shape_cast %broadcast_in_dim3A_446 : vector<16x1xi32> to vector<16xi32>
        %gather3A_448 = tpu.dynamic_gather %mul3A_403[%gather3A_447] in [0] : vector<16xi32>, vector<16xi32> -> vector<16xi32>
        %add3A_449 = arith.addi %gather3A_448, %iota3A : vector<16xi32>
        %gather3A_450 = tpu.vector_load_idx %arg5[%add3A_449] : memref<17017xi32, #tpu.memory_space<vmem>>[vector<16xi32>], vector<16xi32>,
        %bitcast3A_451 = vector.bitcast %gather3A_450 : vector<16xi32> to vector<32xbf16>
        %add3A_452 = arith.addf %add3A_381, %bitcast3A_451 : vector<32xbf16>
        %broadcast_in_dim3A_453 = vector.shape_cast %broadcast_in_dim3A_37 : vector<16xi32> to vector<16x1xi32>
        %gather3A_454 = vector.shape_cast %broadcast_in_dim3A_453 : vector<16x1xi32> to vector<16xi32>
        %gather3A_455 = tpu.dynamic_gather %mul3A_403[%gather3A_454] in [0] : vector<16xi32>, vector<16xi32> -> vector<16xi32>
        %add3A_456 = arith.addi %gather3A_455, %iota3A : vector<16xi32>
        %gather3A_457 = tpu.vector_load_idx %arg5[%add3A_456] : memref<17017xi32, #tpu.memory_space<vmem>>[vector<16xi32>], vector<16xi32>,
        %bitcast3A_458 = vector.bitcast %gather3A_457 : vector<16xi32> to vector<32xbf16>
        %add3A_459 = arith.addf %add3A_388, %bitcast3A_458 : vector<32xbf16>
        %mul3A_460 = arith.constant 4 : i32
        %mul3A_461 = arith.muli %scan3A_240, %mul3A_460 : i32
        %add3A_462 = arith.constant 3 : i32
        %add3A_463 = arith.addi %mul3A_461, %add3A_462 : i32
        %broadcast_in_dim3A_464 = vector.broadcast %add3A_463 : i32 to vector<16xi32>
        %gather3A_465 = tpu.vector_load_idx %arg6[%broadcast_in_dim3A_123, %iota3A, %broadcast_in_dim3A_464] : memref<2x16x200xi32, #tpu.memory_space<vmem>>[vector<16xi32>, vector<16xi32>, vector<16xi32>], vector<16xi32>,
        %ne3A_466 = arith.constant 0 : i32
        %ne3A_467 = vector.broadcast %ne3A_466 : i32 to vector<16xi32>
        %ne3A_468 = arith.cmpi ne, %gather3A_465, %ne3A_467 : vector<16xi32>
        %convert_element_type3A_469 = arith.extui %ne3A_468 : vector<16xi1> to vector<16xi32>
        %swap3A_470 = arith.constant 0 : index
        %swap3A_471 = tpu.vector_load %arg8[%swap3A_470] {strides = array<i32>} : memref<16xi32, #tpu.memory_space<vmem>>, vector<16xi32>,
        tpu.vector_store %arg8[%swap3A_470], %convert_element_type3A_469 {add = true, strides = array<i32>} : memref<16xi32, #tpu.memory_space<vmem>>, vector<16xi32>,
        %mul3A_472 = arith.constant 17 : i32
        %mul3A_473 = vector.broadcast %mul3A_472 : i32 to vector<16xi32>
        %mul3A_474 = arith.muli %gather3A_465, %mul3A_473 : vector<16xi32>
        %broadcast_in_dim3A_475 = vector.shape_cast %broadcast_in_dim3A_23 : vector<16xi32> to vector<16x1xi32>
        %gather3A_476 = vector.shape_cast %broadcast_in_dim3A_475 : vector<16x1xi32> to vector<16xi32>
        %gather3A_477 = tpu.dynamic_gather %mul3A_474[%gather3A_476] in [0] : vector<16xi32>, vector<16xi32> -> vector<16xi32>
        %add3A_478 = arith.addi %gather3A_477, %iota3A : vector<16xi32>
        %gather3A_479 = tpu.vector_load_idx %arg5[%add3A_478] : memref<17017xi32, #tpu.memory_space<vmem>>[vector<16xi32>], vector<16xi32>,
        %bitcast3A_480 = vector.bitcast %gather3A_479 : vector<16xi32> to vector<32xbf16>
        %add3A_481 = arith.addf %add3A_410, %bitcast3A_480 : vector<32xbf16>
        %broadcast_in_dim3A_482 = vector.shape_cast %broadcast_in_dim3A_25 : vector<16xi32> to vector<16x1xi32>
        %gather3A_483 = vector.shape_cast %broadcast_in_dim3A_482 : vector<16x1xi32> to vector<16xi32>
        %gather3A_484 = tpu.dynamic_gather %mul3A_474[%gather3A_483] in [0] : vector<16xi32>, vector<16xi32> -> vector<16xi32>
        %add3A_485 = arith.addi %gather3A_484, %iota3A : vector<16xi32>
        %gather3A_486 = tpu.vector_load_idx %arg5[%add3A_485] : memref<17017xi32, #tpu.memory_space<vmem>>[vector<16xi32>], vector<16xi32>,
        %bitcast3A_487 = vector.bitcast %gather3A_486 : vector<16xi32> to vector<32xbf16>
        %add3A_488 = arith.addf %add3A_417, %bitcast3A_487 : vector<32xbf16>
        %broadcast_in_dim3A_489 = vector.shape_cast %broadcast_in_dim3A_27 : vector<16xi32> to vector<16x1xi32>
        %gather3A_490 = vector.shape_cast %broadcast_in_dim3A_489 : vector<16x1xi32> to vector<16xi32>
        %gather3A_491 = tpu.dynamic_gather %mul3A_474[%gather3A_490] in [0] : vector<16xi32>, vector<16xi32> -> vector<16xi32>
        %add3A_492 = arith.addi %gather3A_491, %iota3A : vector<16xi32>
        %gather3A_493 = tpu.vector_load_idx %arg5[%add3A_492] : memref<17017xi32, #tpu.memory_space<vmem>>[vector<16xi32>], vector<16xi32>,
        %bitcast3A_494 = vector.bitcast %gather3A_493 : vector<16xi32> to vector<32xbf16>
        %add3A_495 = arith.addf %add3A_424, %bitcast3A_494 : vector<32xbf16>
        %broadcast_in_dim3A_496 = vector.shape_cast %broadcast_in_dim3A_29 : vector<16xi32> to vector<16x1xi32>
        %gather3A_497 = vector.shape_cast %broadcast_in_dim3A_496 : vector<16x1xi32> to vector<16xi32>
        %gather3A_498 = tpu.dynamic_gather %mul3A_474[%gather3A_497] in [0] : vector<16xi32>, vector<16xi32> -> vector<16xi32>
        %add3A_499 = arith.addi %gather3A_498, %iota3A : vector<16xi32>
        %gather3A_500 = tpu.vector_load_idx %arg5[%add3A_499] : memref<17017xi32, #tpu.memory_space<vmem>>[vector<16xi32>], vector<16xi32>,
        %bitcast3A_501 = vector.bitcast %gather3A_500 : vector<16xi32> to vector<32xbf16>
        %add3A_502 = arith.addf %add3A_431, %bitcast3A_501 : vector<32xbf16>
        %broadcast_in_dim3A_503 = vector.shape_cast %broadcast_in_dim3A_31 : vector<16xi32> to vector<16x1xi32>
        %gather3A_504 = vector.shape_cast %broadcast_in_dim3A_503 : vector<16x1xi32> to vector<16xi32>
        %gather3A_505 = tpu.dynamic_gather %mul3A_474[%gather3A_504] in [0] : vector<16xi32>, vector<16xi32> -> vector<16xi32>
        %add3A_506 = arith.addi %gather3A_505, %iota3A : vector<16xi32>
        %gather3A_507 = tpu.vector_load_idx %arg5[%add3A_506] : memref<17017xi32, #tpu.memory_space<vmem>>[vector<16xi32>], vector<16xi32>,
        %bitcast3A_508 = vector.bitcast %gather3A_507 : vector<16xi32> to vector<32xbf16>
        %add3A_509 = arith.addf %add3A_438, %bitcast3A_508 : vector<32xbf16>
        %broadcast_in_dim3A_510 = vector.shape_cast %broadcast_in_dim3A_33 : vector<16xi32> to vector<16x1xi32>
        %gather3A_511 = vector.shape_cast %broadcast_in_dim3A_510 : vector<16x1xi32> to vector<16xi32>
        %gather3A_512 = tpu.dynamic_gather %mul3A_474[%gather3A_511] in [0] : vector<16xi32>, vector<16xi32> -> vector<16xi32>
        %add3A_513 = arith.addi %gather3A_512, %iota3A : vector<16xi32>
        %gather3A_514 = tpu.vector_load_idx %arg5[%add3A_513] : memref<17017xi32, #tpu.memory_space<vmem>>[vector<16xi32>], vector<16xi32>,
        %bitcast3A_515 = vector.bitcast %gather3A_514 : vector<16xi32> to vector<32xbf16>
        %add3A_516 = arith.addf %add3A_445, %bitcast3A_515 : vector<32xbf16>
        %broadcast_in_dim3A_517 = vector.shape_cast %broadcast_in_dim3A_35 : vector<16xi32> to vector<16x1xi32>
        %gather3A_518 = vector.shape_cast %broadcast_in_dim3A_517 : vector<16x1xi32> to vector<16xi32>
        %gather3A_519 = tpu.dynamic_gather %mul3A_474[%gather3A_518] in [0] : vector<16xi32>, vector<16xi32> -> vector<16xi32>
        %add3A_520 = arith.addi %gather3A_519, %iota3A : vector<16xi32>
        %gather3A_521 = tpu.vector_load_idx %arg5[%add3A_520] : memref<17017xi32, #tpu.memory_space<vmem>>[vector<16xi32>], vector<16xi32>,
        %bitcast3A_522 = vector.bitcast %gather3A_521 : vector<16xi32> to vector<32xbf16>
        %add3A_523 = arith.addf %add3A_452, %bitcast3A_522 : vector<32xbf16>
        %broadcast_in_dim3A_524 = vector.shape_cast %broadcast_in_dim3A_37 : vector<16xi32> to vector<16x1xi32>
        %gather3A_525 = vector.shape_cast %broadcast_in_dim3A_524 : vector<16x1xi32> to vector<16xi32>
        %gather3A_526 = tpu.dynamic_gather %mul3A_474[%gather3A_525] in [0] : vector<16xi32>, vector<16xi32> -> vector<16xi32>
        %add3A_527 = arith.addi %gather3A_526, %iota3A : vector<16xi32>
        %gather3A_528 = tpu.vector_load_idx %arg5[%add3A_527] : memref<17017xi32, #tpu.memory_space<vmem>>[vector<16xi32>], vector<16xi32>,
        %bitcast3A_529 = vector.bitcast %gather3A_528 : vector<16xi32> to vector<32xbf16>
        %add3A_530 = arith.addf %add3A_459, %bitcast3A_529 : vector<32xbf16>
        %bitcast3A_531 = vector.bitcast %add3A_481 : vector<32xbf16> to vector<16xi32>
        %shift_left3A = arith.constant 16 : i32
        %shift_left3A_532 = vector.broadcast %shift_left3A : i32 to vector<16xi32>
        %shift_left3A_533 = arith.shli %bitcast3A_531, %shift_left3A_532 : vector<16xi32>
        %bitcast3A_534 = vector.bitcast %shift_left3A_533 : vector<16xi32> to vector<16xf32>
        %and3A = arith.constant -65536 : i32
        %and3A_535 = vector.broadcast %and3A : i32 to vector<16xi32>
        %and3A_536 = arith.andi %bitcast3A_531, %and3A_535 : vector<16xi32>
        %bitcast3A_537 = vector.bitcast %and3A_536 : vector<16xi32> to vector<16xf32>
        %add3A_538 = arith.addf %scan3A_241, %bitcast3A_534 : vector<16xf32>
        %add3A_539 = arith.addf %scan3A_242, %bitcast3A_537 : vector<16xf32>
        %bitcast3A_540 = vector.bitcast %add3A_488 : vector<32xbf16> to vector<16xi32>
        %shift_left3A_541 = arith.constant 16 : i32
        %shift_left3A_542 = vector.broadcast %shift_left3A_541 : i32 to vector<16xi32>
        %shift_left3A_543 = arith.shli %bitcast3A_540, %shift_left3A_542 : vector<16xi32>
        %bitcast3A_544 = vector.bitcast %shift_left3A_543 : vector<16xi32> to vector<16xf32>
        %and3A_545 = arith.constant -65536 : i32
        %and3A_546 = vector.broadcast %and3A_545 : i32 to vector<16xi32>
        %and3A_547 = arith.andi %bitcast3A_540, %and3A_546 : vector<16xi32>
        %bitcast3A_548 = vector.bitcast %and3A_547 : vector<16xi32> to vector<16xf32>
        %add3A_549 = arith.addf %scan3A_243, %bitcast3A_544 : vector<16xf32>
        %add3A_550 = arith.addf %scan3A_244, %bitcast3A_548 : vector<16xf32>
        %bitcast3A_551 = vector.bitcast %add3A_495 : vector<32xbf16> to vector<16xi32>
        %shift_left3A_552 = arith.constant 16 : i32
        %shift_left3A_553 = vector.broadcast %shift_left3A_552 : i32 to vector<16xi32>
        %shift_left3A_554 = arith.shli %bitcast3A_551, %shift_left3A_553 : vector<16xi32>
        %bitcast3A_555 = vector.bitcast %shift_left3A_554 : vector<16xi32> to vector<16xf32>
        %and3A_556 = arith.constant -65536 : i32
        %and3A_557 = vector.broadcast %and3A_556 : i32 to vector<16xi32>
        %and3A_558 = arith.andi %bitcast3A_551, %and3A_557 : vector<16xi32>
        %bitcast3A_559 = vector.bitcast %and3A_558 : vector<16xi32> to vector<16xf32>
        %add3A_560 = arith.addf %scan3A_245, %bitcast3A_555 : vector<16xf32>
        %add3A_561 = arith.addf %scan3A_246, %bitcast3A_559 : vector<16xf32>
        %bitcast3A_562 = vector.bitcast %add3A_502 : vector<32xbf16> to vector<16xi32>
        %shift_left3A_563 = arith.constant 16 : i32
        %shift_left3A_564 = vector.broadcast %shift_left3A_563 : i32 to vector<16xi32>
        %shift_left3A_565 = arith.shli %bitcast3A_562, %shift_left3A_564 : vector<16xi32>
        %bitcast3A_566 = vector.bitcast %shift_left3A_565 : vector<16xi32> to vector<16xf32>
        %and3A_567 = arith.constant -65536 : i32
        %and3A_568 = vector.broadcast %and3A_567 : i32 to vector<16xi32>
        %and3A_569 = arith.andi %bitcast3A_562, %and3A_568 : vector<16xi32>
        %bitcast3A_570 = vector.bitcast %and3A_569 : vector<16xi32> to vector<16xf32>
        %add3A_571 = arith.addf %scan3A_247, %bitcast3A_566 : vector<16xf32>
        %add3A_572 = arith.addf %scan3A_248, %bitcast3A_570 : vector<16xf32>
        %bitcast3A_573 = vector.bitcast %add3A_509 : vector<32xbf16> to vector<16xi32>
        %shift_left3A_574 = arith.constant 16 : i32
        %shift_left3A_575 = vector.broadcast %shift_left3A_574 : i32 to vector<16xi32>
        %shift_left3A_576 = arith.shli %bitcast3A_573, %shift_left3A_575 : vector<16xi32>
        %bitcast3A_577 = vector.bitcast %shift_left3A_576 : vector<16xi32> to vector<16xf32>
        %and3A_578 = arith.constant -65536 : i32
        %and3A_579 = vector.broadcast %and3A_578 : i32 to vector<16xi32>
        %and3A_580 = arith.andi %bitcast3A_573, %and3A_579 : vector<16xi32>
        %bitcast3A_581 = vector.bitcast %and3A_580 : vector<16xi32> to vector<16xf32>
        %add3A_582 = arith.addf %scan3A_249, %bitcast3A_577 : vector<16xf32>
        %add3A_583 = arith.addf %scan3A_250, %bitcast3A_581 : vector<16xf32>
        %bitcast3A_584 = vector.bitcast %add3A_516 : vector<32xbf16> to vector<16xi32>
        %shift_left3A_585 = arith.constant 16 : i32
        %shift_left3A_586 = vector.broadcast %shift_left3A_585 : i32 to vector<16xi32>
        %shift_left3A_587 = arith.shli %bitcast3A_584, %shift_left3A_586 : vector<16xi32>
        %bitcast3A_588 = vector.bitcast %shift_left3A_587 : vector<16xi32> to vector<16xf32>
        %and3A_589 = arith.constant -65536 : i32
        %and3A_590 = vector.broadcast %and3A_589 : i32 to vector<16xi32>
        %and3A_591 = arith.andi %bitcast3A_584, %and3A_590 : vector<16xi32>
        %bitcast3A_592 = vector.bitcast %and3A_591 : vector<16xi32> to vector<16xf32>
        %add3A_593 = arith.addf %scan3A_251, %bitcast3A_588 : vector<16xf32>
        %add3A_594 = arith.addf %scan3A_252, %bitcast3A_592 : vector<16xf32>
        %bitcast3A_595 = vector.bitcast %add3A_523 : vector<32xbf16> to vector<16xi32>
        %shift_left3A_596 = arith.constant 16 : i32
        %shift_left3A_597 = vector.broadcast %shift_left3A_596 : i32 to vector<16xi32>
        %shift_left3A_598 = arith.shli %bitcast3A_595, %shift_left3A_597 : vector<16xi32>
        %bitcast3A_599 = vector.bitcast %shift_left3A_598 : vector<16xi32> to vector<16xf32>
        %and3A_600 = arith.constant -65536 : i32
        %and3A_601 = vector.broadcast %and3A_600 : i32 to vector<16xi32>
        %and3A_602 = arith.andi %bitcast3A_595, %and3A_601 : vector<16xi32>
        %bitcast3A_603 = vector.bitcast %and3A_602 : vector<16xi32> to vector<16xf32>
        %add3A_604 = arith.addf %scan3A_253, %bitcast3A_599 : vector<16xf32>
        %add3A_605 = arith.addf %scan3A_254, %bitcast3A_603 : vector<16xf32>
        %bitcast3A_606 = vector.bitcast %add3A_530 : vector<32xbf16> to vector<16xi32>
        %shift_left3A_607 = arith.constant 16 : i32
        %shift_left3A_608 = vector.broadcast %shift_left3A_607 : i32 to vector<16xi32>
        %shift_left3A_609 = arith.shli %bitcast3A_606, %shift_left3A_608 : vector<16xi32>
        %bitcast3A_610 = vector.bitcast %shift_left3A_609 : vector<16xi32> to vector<16xf32>
        %and3A_611 = arith.constant -65536 : i32
        %and3A_612 = vector.broadcast %and3A_611 : i32 to vector<16xi32>
        %and3A_613 = arith.andi %bitcast3A_606, %and3A_612 : vector<16xi32>
        %bitcast3A_614 = vector.bitcast %and3A_613 : vector<16xi32> to vector<16xf32>
        %add3A_615 = arith.addf %scan3A_255, %bitcast3A_610 : vector<16xf32>
        %add3A_616 = arith.addf %scan3A_256, %bitcast3A_614 : vector<16xf32>
        scf.yield %add3A_538, %add3A_539, %add3A_549, %add3A_550, %add3A_560, %add3A_561, %add3A_571, %add3A_572, %add3A_582, %add3A_583, %add3A_593, %add3A_594, %add3A_604, %add3A_605, %add3A_615, %add3A_616 : vector<16xf32>, vector<16xf32>, vector<16xf32>, vector<16xf32>, vector<16xf32>, vector<16xf32>, vector<16xf32>, vector<16xf32>, vector<16xf32>, vector<16xf32>, vector<16xf32>, vector<16xf32>, vector<16xf32>, vector<16xf32>, vector<16xf32>, vector<16xf32>
      }
      %scan3A_134 = arith.constant 50 : i32
      %get3A = arith.constant 0 : index
      %get3A_135 = tpu.vector_load %arg8[%get3A] {strides = array<i32>} : memref<16xi32, #tpu.memory_space<vmem>>, vector<16xi32>,
      %convert_element_type3A_136 = arith.sitofp %get3A_135 : vector<16xi32> to vector<16xf32>
      %max3A = arith.constant 1.000000e+00 : f32
      %max3A_137 = vector.broadcast %max3A : f32 to vector<16xf32>
      %max3A_138 = arith.maximumf %convert_element_type3A_136, %max3A_137 : vector<16xf32>
      %div3A = arith.constant 1.000000e+00 : f32
      %div3A_139 = vector.broadcast %div3A : f32 to vector<16xf32>
      %div3A_140 = arith.divf %div3A_139, %max3A_138 : vector<16xf32>
      %broadcast_in_dim3A_141 = vector.shape_cast %broadcast_in_dim3A_23 : vector<16xi32> to vector<16x1xi32>
      %gather3A = vector.shape_cast %broadcast_in_dim3A_141 : vector<16x1xi32> to vector<16xi32>
      %gather3A_142 = tpu.dynamic_gather %div3A_140[%gather3A] in [0] : vector<16xf32>, vector<16xi32> -> vector<16xf32>
      %mul3A_143 = arith.mulf %scan3A_133#0, %gather3A_142 : vector<16xf32>
      tpu.vector_store_idx %arg7[%broadcast_in_dim3A_123, %broadcast_in_dim3A_23, %mul3A_19], %mul3A_143 : memref<2x16x32xf32, #tpu.memory_space<vmem>>[vector<16xi32>, vector<16xi32>, vector<16xi32>], vector<16xf32>,
      %mul3A_144 = arith.mulf %scan3A_133#1, %gather3A_142 : vector<16xf32>
      tpu.vector_store_idx %arg7[%broadcast_in_dim3A_123, %broadcast_in_dim3A_23, %add3A_22], %mul3A_144 : memref<2x16x32xf32, #tpu.memory_space<vmem>>[vector<16xi32>, vector<16xi32>, vector<16xi32>], vector<16xf32>,
      %broadcast_in_dim3A_145 = vector.shape_cast %broadcast_in_dim3A_25 : vector<16xi32> to vector<16x1xi32>
      %gather3A_146 = vector.shape_cast %broadcast_in_dim3A_145 : vector<16x1xi32> to vector<16xi32>
      %gather3A_147 = tpu.dynamic_gather %div3A_140[%gather3A_146] in [0] : vector<16xf32>, vector<16xi32> -> vector<16xf32>
      %mul3A_148 = arith.mulf %scan3A_133#2, %gather3A_147 : vector<16xf32>
      tpu.vector_store_idx %arg7[%broadcast_in_dim3A_123, %broadcast_in_dim3A_25, %mul3A_19], %mul3A_148 : memref<2x16x32xf32, #tpu.memory_space<vmem>>[vector<16xi32>, vector<16xi32>, vector<16xi32>], vector<16xf32>,
      %mul3A_149 = arith.mulf %scan3A_133#3, %gather3A_147 : vector<16xf32>
      tpu.vector_store_idx %arg7[%broadcast_in_dim3A_123, %broadcast_in_dim3A_25, %add3A_22], %mul3A_149 : memref<2x16x32xf32, #tpu.memory_space<vmem>>[vector<16xi32>, vector<16xi32>, vector<16xi32>], vector<16xf32>,
      %broadcast_in_dim3A_150 = vector.shape_cast %broadcast_in_dim3A_27 : vector<16xi32> to vector<16x1xi32>
      %gather3A_151 = vector.shape_cast %broadcast_in_dim3A_150 : vector<16x1xi32> to vector<16xi32>
      %gather3A_152 = tpu.dynamic_gather %div3A_140[%gather3A_151] in [0] : vector<16xf32>, vector<16xi32> -> vector<16xf32>
      %mul3A_153 = arith.mulf %scan3A_133#4, %gather3A_152 : vector<16xf32>
      tpu.vector_store_idx %arg7[%broadcast_in_dim3A_123, %broadcast_in_dim3A_27, %mul3A_19], %mul3A_153 : memref<2x16x32xf32, #tpu.memory_space<vmem>>[vector<16xi32>, vector<16xi32>, vector<16xi32>], vector<16xf32>,
      %mul3A_154 = arith.mulf %scan3A_133#5, %gather3A_152 : vector<16xf32>
      tpu.vector_store_idx %arg7[%broadcast_in_dim3A_123, %broadcast_in_dim3A_27, %add3A_22], %mul3A_154 : memref<2x16x32xf32, #tpu.memory_space<vmem>>[vector<16xi32>, vector<16xi32>, vector<16xi32>], vector<16xf32>,
      %broadcast_in_dim3A_155 = vector.shape_cast %broadcast_in_dim3A_29 : vector<16xi32> to vector<16x1xi32>
      %gather3A_156 = vector.shape_cast %broadcast_in_dim3A_155 : vector<16x1xi32> to vector<16xi32>
      %gather3A_157 = tpu.dynamic_gather %div3A_140[%gather3A_156] in [0] : vector<16xf32>, vector<16xi32> -> vector<16xf32>
      %mul3A_158 = arith.mulf %scan3A_133#6, %gather3A_157 : vector<16xf32>
      tpu.vector_store_idx %arg7[%broadcast_in_dim3A_123, %broadcast_in_dim3A_29, %mul3A_19], %mul3A_158 : memref<2x16x32xf32, #tpu.memory_space<vmem>>[vector<16xi32>, vector<16xi32>, vector<16xi32>], vector<16xf32>,
      %mul3A_159 = arith.mulf %scan3A_133#7, %gather3A_157 : vector<16xf32>
      tpu.vector_store_idx %arg7[%broadcast_in_dim3A_123, %broadcast_in_dim3A_29, %add3A_22], %mul3A_159 : memref<2x16x32xf32, #tpu.memory_space<vmem>>[vector<16xi32>, vector<16xi32>, vector<16xi32>], vector<16xf32>,
      %broadcast_in_dim3A_160 = vector.shape_cast %broadcast_in_dim3A_31 : vector<16xi32> to vector<16x1xi32>
      %gather3A_161 = vector.shape_cast %broadcast_in_dim3A_160 : vector<16x1xi32> to vector<16xi32>
      %gather3A_162 = tpu.dynamic_gather %div3A_140[%gather3A_161] in [0] : vector<16xf32>, vector<16xi32> -> vector<16xf32>
      %mul3A_163 = arith.mulf %scan3A_133#8, %gather3A_162 : vector<16xf32>
      tpu.vector_store_idx %arg7[%broadcast_in_dim3A_123, %broadcast_in_dim3A_31, %mul3A_19], %mul3A_163 : memref<2x16x32xf32, #tpu.memory_space<vmem>>[vector<16xi32>, vector<16xi32>, vector<16xi32>], vector<16xf32>,
      %mul3A_164 = arith.mulf %scan3A_133#9, %gather3A_162 : vector<16xf32>
      tpu.vector_store_idx %arg7[%broadcast_in_dim3A_123, %broadcast_in_dim3A_31, %add3A_22], %mul3A_164 : memref<2x16x32xf32, #tpu.memory_space<vmem>>[vector<16xi32>, vector<16xi32>, vector<16xi32>], vector<16xf32>,
      %broadcast_in_dim3A_165 = vector.shape_cast %broadcast_in_dim3A_33 : vector<16xi32> to vector<16x1xi32>
      %gather3A_166 = vector.shape_cast %broadcast_in_dim3A_165 : vector<16x1xi32> to vector<16xi32>
      %gather3A_167 = tpu.dynamic_gather %div3A_140[%gather3A_166] in [0] : vector<16xf32>, vector<16xi32> -> vector<16xf32>
      %mul3A_168 = arith.mulf %scan3A_133#10, %gather3A_167 : vector<16xf32>
      tpu.vector_store_idx %arg7[%broadcast_in_dim3A_123, %broadcast_in_dim3A_33, %mul3A_19], %mul3A_168 : memref<2x16x32xf32, #tpu.memory_space<vmem>>[vector<16xi32>, vector<16xi32>, vector<16xi32>], vector<16xf32>,
      %mul3A_169 = arith.mulf %scan3A_133#11, %gather3A_167 : vector<16xf32>
      tpu.vector_store_idx %arg7[%broadcast_in_dim3A_123, %broadcast_in_dim3A_33, %add3A_22], %mul3A_169 : memref<2x16x32xf32, #tpu.memory_space<vmem>>[vector<16xi32>, vector<16xi32>, vector<16xi32>], vector<16xf32>,
      %broadcast_in_dim3A_170 = vector.shape_cast %broadcast_in_dim3A_35 : vector<16xi32> to vector<16x1xi32>
      %gather3A_171 = vector.shape_cast %broadcast_in_dim3A_170 : vector<16x1xi32> to vector<16xi32>
      %gather3A_172 = tpu.dynamic_gather %div3A_140[%gather3A_171] in [0] : vector<16xf32>, vector<16xi32> -> vector<16xf32>
      %mul3A_173 = arith.mulf %scan3A_133#12, %gather3A_172 : vector<16xf32>
      tpu.vector_store_idx %arg7[%broadcast_in_dim3A_123, %broadcast_in_dim3A_35, %mul3A_19], %mul3A_173 : memref<2x16x32xf32, #tpu.memory_space<vmem>>[vector<16xi32>, vector<16xi32>, vector<16xi32>], vector<16xf32>,
      %mul3A_174 = arith.mulf %scan3A_133#13, %gather3A_172 : vector<16xf32>
      tpu.vector_store_idx %arg7[%broadcast_in_dim3A_123, %broadcast_in_dim3A_35, %add3A_22], %mul3A_174 : memref<2x16x32xf32, #tpu.memory_space<vmem>>[vector<16xi32>, vector<16xi32>, vector<16xi32>], vector<16xf32>,
      %broadcast_in_dim3A_175 = vector.shape_cast %broadcast_in_dim3A_37 : vector<16xi32> to vector<16x1xi32>
      %gather3A_176 = vector.shape_cast %broadcast_in_dim3A_175 : vector<16x1xi32> to vector<16xi32>
      %gather3A_177 = tpu.dynamic_gather %div3A_140[%gather3A_176] in [0] : vector<16xf32>, vector<16xi32> -> vector<16xf32>
      %mul3A_178 = arith.mulf %scan3A_133#14, %gather3A_177 : vector<16xf32>
      tpu.vector_store_idx %arg7[%broadcast_in_dim3A_123, %broadcast_in_dim3A_37, %mul3A_19], %mul3A_178 : memref<2x16x32xf32, #tpu.memory_space<vmem>>[vector<16xi32>, vector<16xi32>, vector<16xi32>], vector<16xf32>,
      %mul3A_179 = arith.mulf %scan3A_133#15, %gather3A_177 : vector<16xf32>
      tpu.vector_store_idx %arg7[%broadcast_in_dim3A_123, %broadcast_in_dim3A_37, %add3A_22], %mul3A_179 : memref<2x16x32xf32, #tpu.memory_space<vmem>>[vector<16xi32>, vector<16xi32>, vector<16xi32>], vector<16xf32>,
      %scan3A_180 = arith.constant 0 : i32
      %scan3A_181 = arith.constant 50 : i32
      %scan3A_182 = arith.addi %scan3A_180, %scan3A_181 : i32
      %scan3A_183 = arith.constant 1 : i32
      %scan3A_184:16 = scf.for %scan3A_240 = %scan3A_180 to %scan3A_182 step %scan3A_183 iter_args(%scan3A_241 = %broadcast_in_dim3A_55, %scan3A_242 = %broadcast_in_dim3A_55, %scan3A_243 = %broadcast_in_dim3A_55, %scan3A_244 = %broadcast_in_dim3A_55, %scan3A_245 = %broadcast_in_dim3A_55, %scan3A_246 = %broadcast_in_dim3A_55, %scan3A_247 = %broadcast_in_dim3A_55, %scan3A_248 = %broadcast_in_dim3A_55, %scan3A_249 = %broadcast_in_dim3A_55, %scan3A_250 = %broadcast_in_dim3A_55, %scan3A_251 = %broadcast_in_dim3A_55, %scan3A_252 = %broadcast_in_dim3A_55, %scan3A_253 = %broadcast_in_dim3A_55, %scan3A_254 = %broadcast_in_dim3A_55, %scan3A_255 = %broadcast_in_dim3A_55, %scan3A_256 = %broadcast_in_dim3A_55) -> (vector<16xf32>, vector<16xf32>, vector<16xf32>, vector<16xf32>, vector<16xf32>, vector<16xf32>, vector<16xf32>, vector<16xf32>, vector<16xf32>, vector<16xf32>, vector<16xf32>, vector<16xf32>, vector<16xf32>, vector<16xf32>, vector<16xf32>, vector<16xf32>)  : i32 {
        %mul3A_257 = arith.constant 4 : i32
        %mul3A_258 = arith.muli %scan3A_240, %mul3A_257 : i32
        %add3A_259 = arith.constant 0 : i32
        %add3A_260 = arith.addi %mul3A_258, %add3A_259 : i32
        %broadcast_in_dim3A_261 = vector.broadcast %add3A_260 : i32 to vector<16xi32>
        %gather3A_262 = tpu.vector_load_idx %arg6[%broadcast_in_dim3A_123, %iota3A, %broadcast_in_dim3A_261] : memref<2x16x200xi32, #tpu.memory_space<vmem>>[vector<16xi32>, vector<16xi32>, vector<16xi32>], vector<16xi32>,
        %mul3A_263 = arith.constant 17 : i32
        %mul3A_264 = vector.broadcast %mul3A_263 : i32 to vector<16xi32>
        %mul3A_265 = arith.muli %gather3A_262, %mul3A_264 : vector<16xi32>
        %broadcast_in_dim3A_266 = vector.shape_cast %broadcast_in_dim3A_39 : vector<16xi32> to vector<16x1xi32>
        %gather3A_267 = vector.shape_cast %broadcast_in_dim3A_266 : vector<16x1xi32> to vector<16xi32>
        %gather3A_268 = tpu.dynamic_gather %mul3A_265[%gather3A_267] in [0] : vector<16xi32>, vector<16xi32> -> vector<16xi32>
        %add3A_269 = arith.addi %gather3A_268, %iota3A : vector<16xi32>
        %gather3A_270 = tpu.vector_load_idx %arg5[%add3A_269] : memref<17017xi32, #tpu.memory_space<vmem>>[vector<16xi32>], vector<16xi32>,
        %bitcast3A = vector.bitcast %gather3A_270 : vector<16xi32> to vector<32xbf16>
        %broadcast_in_dim3A_271 = vector.shape_cast %broadcast_in_dim3A_41 : vector<16xi32> to vector<16x1xi32>
        %gather3A_272 = vector.shape_cast %broadcast_in_dim3A_271 : vector<16x1xi32> to vector<16xi32>
        %gather3A_273 = tpu.dynamic_gather %mul3A_265[%gather3A_272] in [0] : vector<16xi32>, vector<16xi32> -> vector<16xi32>
        %add3A_274 = arith.addi %gather3A_273, %iota3A : vector<16xi32>
        %gather3A_275 = tpu.vector_load_idx %arg5[%add3A_274] : memref<17017xi32, #tpu.memory_space<vmem>>[vector<16xi32>], vector<16xi32>,
        %bitcast3A_276 = vector.bitcast %gather3A_275 : vector<16xi32> to vector<32xbf16>
        %broadcast_in_dim3A_277 = vector.shape_cast %broadcast_in_dim3A_43 : vector<16xi32> to vector<16x1xi32>
        %gather3A_278 = vector.shape_cast %broadcast_in_dim3A_277 : vector<16x1xi32> to vector<16xi32>
        %gather3A_279 = tpu.dynamic_gather %mul3A_265[%gather3A_278] in [0] : vector<16xi32>, vector<16xi32> -> vector<16xi32>
        %add3A_280 = arith.addi %gather3A_279, %iota3A : vector<16xi32>
        %gather3A_281 = tpu.vector_load_idx %arg5[%add3A_280] : memref<17017xi32, #tpu.memory_space<vmem>>[vector<16xi32>], vector<16xi32>,
        %bitcast3A_282 = vector.bitcast %gather3A_281 : vector<16xi32> to vector<32xbf16>
        %broadcast_in_dim3A_283 = vector.shape_cast %broadcast_in_dim3A_45 : vector<16xi32> to vector<16x1xi32>
        %gather3A_284 = vector.shape_cast %broadcast_in_dim3A_283 : vector<16x1xi32> to vector<16xi32>
        %gather3A_285 = tpu.dynamic_gather %mul3A_265[%gather3A_284] in [0] : vector<16xi32>, vector<16xi32> -> vector<16xi32>
        %add3A_286 = arith.addi %gather3A_285, %iota3A : vector<16xi32>
        %gather3A_287 = tpu.vector_load_idx %arg5[%add3A_286] : memref<17017xi32, #tpu.memory_space<vmem>>[vector<16xi32>], vector<16xi32>,
        %bitcast3A_288 = vector.bitcast %gather3A_287 : vector<16xi32> to vector<32xbf16>
        %broadcast_in_dim3A_289 = vector.shape_cast %broadcast_in_dim3A_47 : vector<16xi32> to vector<16x1xi32>
        %gather3A_290 = vector.shape_cast %broadcast_in_dim3A_289 : vector<16x1xi32> to vector<16xi32>
        %gather3A_291 = tpu.dynamic_gather %mul3A_265[%gather3A_290] in [0] : vector<16xi32>, vector<16xi32> -> vector<16xi32>
        %add3A_292 = arith.addi %gather3A_291, %iota3A : vector<16xi32>
        %gather3A_293 = tpu.vector_load_idx %arg5[%add3A_292] : memref<17017xi32, #tpu.memory_space<vmem>>[vector<16xi32>], vector<16xi32>,
        %bitcast3A_294 = vector.bitcast %gather3A_293 : vector<16xi32> to vector<32xbf16>
        %broadcast_in_dim3A_295 = vector.shape_cast %broadcast_in_dim3A_49 : vector<16xi32> to vector<16x1xi32>
        %gather3A_296 = vector.shape_cast %broadcast_in_dim3A_295 : vector<16x1xi32> to vector<16xi32>
        %gather3A_297 = tpu.dynamic_gather %mul3A_265[%gather3A_296] in [0] : vector<16xi32>, vector<16xi32> -> vector<16xi32>
        %add3A_298 = arith.addi %gather3A_297, %iota3A : vector<16xi32>
        %gather3A_299 = tpu.vector_load_idx %arg5[%add3A_298] : memref<17017xi32, #tpu.memory_space<vmem>>[vector<16xi32>], vector<16xi32>,
        %bitcast3A_300 = vector.bitcast %gather3A_299 : vector<16xi32> to vector<32xbf16>
        %broadcast_in_dim3A_301 = vector.shape_cast %broadcast_in_dim3A_51 : vector<16xi32> to vector<16x1xi32>
        %gather3A_302 = vector.shape_cast %broadcast_in_dim3A_301 : vector<16x1xi32> to vector<16xi32>
        %gather3A_303 = tpu.dynamic_gather %mul3A_265[%gather3A_302] in [0] : vector<16xi32>, vector<16xi32> -> vector<16xi32>
        %add3A_304 = arith.addi %gather3A_303, %iota3A : vector<16xi32>
        %gather3A_305 = tpu.vector_load_idx %arg5[%add3A_304] : memref<17017xi32, #tpu.memory_space<vmem>>[vector<16xi32>], vector<16xi32>,
        %bitcast3A_306 = vector.bitcast %gather3A_305 : vector<16xi32> to vector<32xbf16>
        %broadcast_in_dim3A_307 = vector.shape_cast %broadcast_in_dim3A_53 : vector<16xi32> to vector<16x1xi32>
        %gather3A_308 = vector.shape_cast %broadcast_in_dim3A_307 : vector<16x1xi32> to vector<16xi32>
        %gather3A_309 = tpu.dynamic_gather %mul3A_265[%gather3A_308] in [0] : vector<16xi32>, vector<16xi32> -> vector<16xi32>
        %add3A_310 = arith.addi %gather3A_309, %iota3A : vector<16xi32>
        %gather3A_311 = tpu.vector_load_idx %arg5[%add3A_310] : memref<17017xi32, #tpu.memory_space<vmem>>[vector<16xi32>], vector<16xi32>,
        %bitcast3A_312 = vector.bitcast %gather3A_311 : vector<16xi32> to vector<32xbf16>
        %mul3A_313 = arith.constant 4 : i32
        %mul3A_314 = arith.muli %scan3A_240, %mul3A_313 : i32
        %add3A_315 = arith.constant 1 : i32
        %add3A_316 = arith.addi %mul3A_314, %add3A_315 : i32
        %broadcast_in_dim3A_317 = vector.broadcast %add3A_316 : i32 to vector<16xi32>
        %gather3A_318 = tpu.vector_load_idx %arg6[%broadcast_in_dim3A_123, %iota3A, %broadcast_in_dim3A_317] : memref<2x16x200xi32, #tpu.memory_space<vmem>>[vector<16xi32>, vector<16xi32>, vector<16xi32>], vector<16xi32>,
        %mul3A_319 = arith.constant 17 : i32
        %mul3A_320 = vector.broadcast %mul3A_319 : i32 to vector<16xi32>
        %mul3A_321 = arith.muli %gather3A_318, %mul3A_320 : vector<16xi32>
        %broadcast_in_dim3A_322 = vector.shape_cast %broadcast_in_dim3A_39 : vector<16xi32> to vector<16x1xi32>
        %gather3A_323 = vector.shape_cast %broadcast_in_dim3A_322 : vector<16x1xi32> to vector<16xi32>
        %gather3A_324 = tpu.dynamic_gather %mul3A_321[%gather3A_323] in [0] : vector<16xi32>, vector<16xi32> -> vector<16xi32>
        %add3A_325 = arith.addi %gather3A_324, %iota3A : vector<16xi32>
        %gather3A_326 = tpu.vector_load_idx %arg5[%add3A_325] : memref<17017xi32, #tpu.memory_space<vmem>>[vector<16xi32>], vector<16xi32>,
        %bitcast3A_327 = vector.bitcast %gather3A_326 : vector<16xi32> to vector<32xbf16>
        %add3A_328 = arith.addf %bitcast3A, %bitcast3A_327 : vector<32xbf16>
        %broadcast_in_dim3A_329 = vector.shape_cast %broadcast_in_dim3A_41 : vector<16xi32> to vector<16x1xi32>
        %gather3A_330 = vector.shape_cast %broadcast_in_dim3A_329 : vector<16x1xi32> to vector<16xi32>
        %gather3A_331 = tpu.dynamic_gather %mul3A_321[%gather3A_330] in [0] : vector<16xi32>, vector<16xi32> -> vector<16xi32>
        %add3A_332 = arith.addi %gather3A_331, %iota3A : vector<16xi32>
        %gather3A_333 = tpu.vector_load_idx %arg5[%add3A_332] : memref<17017xi32, #tpu.memory_space<vmem>>[vector<16xi32>], vector<16xi32>,
        %bitcast3A_334 = vector.bitcast %gather3A_333 : vector<16xi32> to vector<32xbf16>
        %add3A_335 = arith.addf %bitcast3A_276, %bitcast3A_334 : vector<32xbf16>
        %broadcast_in_dim3A_336 = vector.shape_cast %broadcast_in_dim3A_43 : vector<16xi32> to vector<16x1xi32>
        %gather3A_337 = vector.shape_cast %broadcast_in_dim3A_336 : vector<16x1xi32> to vector<16xi32>
        %gather3A_338 = tpu.dynamic_gather %mul3A_321[%gather3A_337] in [0] : vector<16xi32>, vector<16xi32> -> vector<16xi32>
        %add3A_339 = arith.addi %gather3A_338, %iota3A : vector<16xi32>
        %gather3A_340 = tpu.vector_load_idx %arg5[%add3A_339] : memref<17017xi32, #tpu.memory_space<vmem>>[vector<16xi32>], vector<16xi32>,
        %bitcast3A_341 = vector.bitcast %gather3A_340 : vector<16xi32> to vector<32xbf16>
        %add3A_342 = arith.addf %bitcast3A_282, %bitcast3A_341 : vector<32xbf16>
        %broadcast_in_dim3A_343 = vector.shape_cast %broadcast_in_dim3A_45 : vector<16xi32> to vector<16x1xi32>
        %gather3A_344 = vector.shape_cast %broadcast_in_dim3A_343 : vector<16x1xi32> to vector<16xi32>
        %gather3A_345 = tpu.dynamic_gather %mul3A_321[%gather3A_344] in [0] : vector<16xi32>, vector<16xi32> -> vector<16xi32>
        %add3A_346 = arith.addi %gather3A_345, %iota3A : vector<16xi32>
        %gather3A_347 = tpu.vector_load_idx %arg5[%add3A_346] : memref<17017xi32, #tpu.memory_space<vmem>>[vector<16xi32>], vector<16xi32>,
        %bitcast3A_348 = vector.bitcast %gather3A_347 : vector<16xi32> to vector<32xbf16>
        %add3A_349 = arith.addf %bitcast3A_288, %bitcast3A_348 : vector<32xbf16>
        %broadcast_in_dim3A_350 = vector.shape_cast %broadcast_in_dim3A_47 : vector<16xi32> to vector<16x1xi32>
        %gather3A_351 = vector.shape_cast %broadcast_in_dim3A_350 : vector<16x1xi32> to vector<16xi32>
        %gather3A_352 = tpu.dynamic_gather %mul3A_321[%gather3A_351] in [0] : vector<16xi32>, vector<16xi32> -> vector<16xi32>
        %add3A_353 = arith.addi %gather3A_352, %iota3A : vector<16xi32>
        %gather3A_354 = tpu.vector_load_idx %arg5[%add3A_353] : memref<17017xi32, #tpu.memory_space<vmem>>[vector<16xi32>], vector<16xi32>,
        %bitcast3A_355 = vector.bitcast %gather3A_354 : vector<16xi32> to vector<32xbf16>
        %add3A_356 = arith.addf %bitcast3A_294, %bitcast3A_355 : vector<32xbf16>
        %broadcast_in_dim3A_357 = vector.shape_cast %broadcast_in_dim3A_49 : vector<16xi32> to vector<16x1xi32>
        %gather3A_358 = vector.shape_cast %broadcast_in_dim3A_357 : vector<16x1xi32> to vector<16xi32>
        %gather3A_359 = tpu.dynamic_gather %mul3A_321[%gather3A_358] in [0] : vector<16xi32>, vector<16xi32> -> vector<16xi32>
        %add3A_360 = arith.addi %gather3A_359, %iota3A : vector<16xi32>
        %gather3A_361 = tpu.vector_load_idx %arg5[%add3A_360] : memref<17017xi32, #tpu.memory_space<vmem>>[vector<16xi32>], vector<16xi32>,
        %bitcast3A_362 = vector.bitcast %gather3A_361 : vector<16xi32> to vector<32xbf16>
        %add3A_363 = arith.addf %bitcast3A_300, %bitcast3A_362 : vector<32xbf16>
        %broadcast_in_dim3A_364 = vector.shape_cast %broadcast_in_dim3A_51 : vector<16xi32> to vector<16x1xi32>
        %gather3A_365 = vector.shape_cast %broadcast_in_dim3A_364 : vector<16x1xi32> to vector<16xi32>
        %gather3A_366 = tpu.dynamic_gather %mul3A_321[%gather3A_365] in [0] : vector<16xi32>, vector<16xi32> -> vector<16xi32>
        %add3A_367 = arith.addi %gather3A_366, %iota3A : vector<16xi32>
        %gather3A_368 = tpu.vector_load_idx %arg5[%add3A_367] : memref<17017xi32, #tpu.memory_space<vmem>>[vector<16xi32>], vector<16xi32>,
        %bitcast3A_369 = vector.bitcast %gather3A_368 : vector<16xi32> to vector<32xbf16>
        %add3A_370 = arith.addf %bitcast3A_306, %bitcast3A_369 : vector<32xbf16>
        %broadcast_in_dim3A_371 = vector.shape_cast %broadcast_in_dim3A_53 : vector<16xi32> to vector<16x1xi32>
        %gather3A_372 = vector.shape_cast %broadcast_in_dim3A_371 : vector<16x1xi32> to vector<16xi32>
        %gather3A_373 = tpu.dynamic_gather %mul3A_321[%gather3A_372] in [0] : vector<16xi32>, vector<16xi32> -> vector<16xi32>
        %add3A_374 = arith.addi %gather3A_373, %iota3A : vector<16xi32>
        %gather3A_375 = tpu.vector_load_idx %arg5[%add3A_374] : memref<17017xi32, #tpu.memory_space<vmem>>[vector<16xi32>], vector<16xi32>,
        %bitcast3A_376 = vector.bitcast %gather3A_375 : vector<16xi32> to vector<32xbf16>
        %add3A_377 = arith.addf %bitcast3A_312, %bitcast3A_376 : vector<32xbf16>
        %mul3A_378 = arith.constant 4 : i32
        %mul3A_379 = arith.muli %scan3A_240, %mul3A_378 : i32
        %add3A_380 = arith.constant 2 : i32
        %add3A_381 = arith.addi %mul3A_379, %add3A_380 : i32
        %broadcast_in_dim3A_382 = vector.broadcast %add3A_381 : i32 to vector<16xi32>
        %gather3A_383 = tpu.vector_load_idx %arg6[%broadcast_in_dim3A_123, %iota3A, %broadcast_in_dim3A_382] : memref<2x16x200xi32, #tpu.memory_space<vmem>>[vector<16xi32>, vector<16xi32>, vector<16xi32>], vector<16xi32>,
        %mul3A_384 = arith.constant 17 : i32
        %mul3A_385 = vector.broadcast %mul3A_384 : i32 to vector<16xi32>
        %mul3A_386 = arith.muli %gather3A_383, %mul3A_385 : vector<16xi32>
        %broadcast_in_dim3A_387 = vector.shape_cast %broadcast_in_dim3A_39 : vector<16xi32> to vector<16x1xi32>
        %gather3A_388 = vector.shape_cast %broadcast_in_dim3A_387 : vector<16x1xi32> to vector<16xi32>
        %gather3A_389 = tpu.dynamic_gather %mul3A_386[%gather3A_388] in [0] : vector<16xi32>, vector<16xi32> -> vector<16xi32>
        %add3A_390 = arith.addi %gather3A_389, %iota3A : vector<16xi32>
        %gather3A_391 = tpu.vector_load_idx %arg5[%add3A_390] : memref<17017xi32, #tpu.memory_space<vmem>>[vector<16xi32>], vector<16xi32>,
        %bitcast3A_392 = vector.bitcast %gather3A_391 : vector<16xi32> to vector<32xbf16>
        %add3A_393 = arith.addf %add3A_328, %bitcast3A_392 : vector<32xbf16>
        %broadcast_in_dim3A_394 = vector.shape_cast %broadcast_in_dim3A_41 : vector<16xi32> to vector<16x1xi32>
        %gather3A_395 = vector.shape_cast %broadcast_in_dim3A_394 : vector<16x1xi32> to vector<16xi32>
        %gather3A_396 = tpu.dynamic_gather %mul3A_386[%gather3A_395] in [0] : vector<16xi32>, vector<16xi32> -> vector<16xi32>
        %add3A_397 = arith.addi %gather3A_396, %iota3A : vector<16xi32>
        %gather3A_398 = tpu.vector_load_idx %arg5[%add3A_397] : memref<17017xi32, #tpu.memory_space<vmem>>[vector<16xi32>], vector<16xi32>,
        %bitcast3A_399 = vector.bitcast %gather3A_398 : vector<16xi32> to vector<32xbf16>
        %add3A_400 = arith.addf %add3A_335, %bitcast3A_399 : vector<32xbf16>
        %broadcast_in_dim3A_401 = vector.shape_cast %broadcast_in_dim3A_43 : vector<16xi32> to vector<16x1xi32>
        %gather3A_402 = vector.shape_cast %broadcast_in_dim3A_401 : vector<16x1xi32> to vector<16xi32>
        %gather3A_403 = tpu.dynamic_gather %mul3A_386[%gather3A_402] in [0] : vector<16xi32>, vector<16xi32> -> vector<16xi32>
        %add3A_404 = arith.addi %gather3A_403, %iota3A : vector<16xi32>
        %gather3A_405 = tpu.vector_load_idx %arg5[%add3A_404] : memref<17017xi32, #tpu.memory_space<vmem>>[vector<16xi32>], vector<16xi32>,
        %bitcast3A_406 = vector.bitcast %gather3A_405 : vector<16xi32> to vector<32xbf16>
        %add3A_407 = arith.addf %add3A_342, %bitcast3A_406 : vector<32xbf16>
        %broadcast_in_dim3A_408 = vector.shape_cast %broadcast_in_dim3A_45 : vector<16xi32> to vector<16x1xi32>
        %gather3A_409 = vector.shape_cast %broadcast_in_dim3A_408 : vector<16x1xi32> to vector<16xi32>
        %gather3A_410 = tpu.dynamic_gather %mul3A_386[%gather3A_409] in [0] : vector<16xi32>, vector<16xi32> -> vector<16xi32>
        %add3A_411 = arith.addi %gather3A_410, %iota3A : vector<16xi32>
        %gather3A_412 = tpu.vector_load_idx %arg5[%add3A_411] : memref<17017xi32, #tpu.memory_space<vmem>>[vector<16xi32>], vector<16xi32>,
        %bitcast3A_413 = vector.bitcast %gather3A_412 : vector<16xi32> to vector<32xbf16>
        %add3A_414 = arith.addf %add3A_349, %bitcast3A_413 : vector<32xbf16>
        %broadcast_in_dim3A_415 = vector.shape_cast %broadcast_in_dim3A_47 : vector<16xi32> to vector<16x1xi32>
        %gather3A_416 = vector.shape_cast %broadcast_in_dim3A_415 : vector<16x1xi32> to vector<16xi32>
        %gather3A_417 = tpu.dynamic_gather %mul3A_386[%gather3A_416] in [0] : vector<16xi32>, vector<16xi32> -> vector<16xi32>
        %add3A_418 = arith.addi %gather3A_417, %iota3A : vector<16xi32>
        %gather3A_419 = tpu.vector_load_idx %arg5[%add3A_418] : memref<17017xi32, #tpu.memory_space<vmem>>[vector<16xi32>], vector<16xi32>,
        %bitcast3A_420 = vector.bitcast %gather3A_419 : vector<16xi32> to vector<32xbf16>
        %add3A_421 = arith.addf %add3A_356, %bitcast3A_420 : vector<32xbf16>
        %broadcast_in_dim3A_422 = vector.shape_cast %broadcast_in_dim3A_49 : vector<16xi32> to vector<16x1xi32>
        %gather3A_423 = vector.shape_cast %broadcast_in_dim3A_422 : vector<16x1xi32> to vector<16xi32>
        %gather3A_424 = tpu.dynamic_gather %mul3A_386[%gather3A_423] in [0] : vector<16xi32>, vector<16xi32> -> vector<16xi32>
        %add3A_425 = arith.addi %gather3A_424, %iota3A : vector<16xi32>
        %gather3A_426 = tpu.vector_load_idx %arg5[%add3A_425] : memref<17017xi32, #tpu.memory_space<vmem>>[vector<16xi32>], vector<16xi32>,
        %bitcast3A_427 = vector.bitcast %gather3A_426 : vector<16xi32> to vector<32xbf16>
        %add3A_428 = arith.addf %add3A_363, %bitcast3A_427 : vector<32xbf16>
        %broadcast_in_dim3A_429 = vector.shape_cast %broadcast_in_dim3A_51 : vector<16xi32> to vector<16x1xi32>
        %gather3A_430 = vector.shape_cast %broadcast_in_dim3A_429 : vector<16x1xi32> to vector<16xi32>
        %gather3A_431 = tpu.dynamic_gather %mul3A_386[%gather3A_430] in [0] : vector<16xi32>, vector<16xi32> -> vector<16xi32>
        %add3A_432 = arith.addi %gather3A_431, %iota3A : vector<16xi32>
        %gather3A_433 = tpu.vector_load_idx %arg5[%add3A_432] : memref<17017xi32, #tpu.memory_space<vmem>>[vector<16xi32>], vector<16xi32>,
        %bitcast3A_434 = vector.bitcast %gather3A_433 : vector<16xi32> to vector<32xbf16>
        %add3A_435 = arith.addf %add3A_370, %bitcast3A_434 : vector<32xbf16>
        %broadcast_in_dim3A_436 = vector.shape_cast %broadcast_in_dim3A_53 : vector<16xi32> to vector<16x1xi32>
        %gather3A_437 = vector.shape_cast %broadcast_in_dim3A_436 : vector<16x1xi32> to vector<16xi32>
        %gather3A_438 = tpu.dynamic_gather %mul3A_386[%gather3A_437] in [0] : vector<16xi32>, vector<16xi32> -> vector<16xi32>
        %add3A_439 = arith.addi %gather3A_438, %iota3A : vector<16xi32>
        %gather3A_440 = tpu.vector_load_idx %arg5[%add3A_439] : memref<17017xi32, #tpu.memory_space<vmem>>[vector<16xi32>], vector<16xi32>,
        %bitcast3A_441 = vector.bitcast %gather3A_440 : vector<16xi32> to vector<32xbf16>
        %add3A_442 = arith.addf %add3A_377, %bitcast3A_441 : vector<32xbf16>
        %mul3A_443 = arith.constant 4 : i32
        %mul3A_444 = arith.muli %scan3A_240, %mul3A_443 : i32
        %add3A_445 = arith.constant 3 : i32
        %add3A_446 = arith.addi %mul3A_444, %add3A_445 : i32
        %broadcast_in_dim3A_447 = vector.broadcast %add3A_446 : i32 to vector<16xi32>
        %gather3A_448 = tpu.vector_load_idx %arg6[%broadcast_in_dim3A_123, %iota3A, %broadcast_in_dim3A_447] : memref<2x16x200xi32, #tpu.memory_space<vmem>>[vector<16xi32>, vector<16xi32>, vector<16xi32>], vector<16xi32>,
        %mul3A_449 = arith.constant 17 : i32
        %mul3A_450 = vector.broadcast %mul3A_449 : i32 to vector<16xi32>
        %mul3A_451 = arith.muli %gather3A_448, %mul3A_450 : vector<16xi32>
        %broadcast_in_dim3A_452 = vector.shape_cast %broadcast_in_dim3A_39 : vector<16xi32> to vector<16x1xi32>
        %gather3A_453 = vector.shape_cast %broadcast_in_dim3A_452 : vector<16x1xi32> to vector<16xi32>
        %gather3A_454 = tpu.dynamic_gather %mul3A_451[%gather3A_453] in [0] : vector<16xi32>, vector<16xi32> -> vector<16xi32>
        %add3A_455 = arith.addi %gather3A_454, %iota3A : vector<16xi32>
        %gather3A_456 = tpu.vector_load_idx %arg5[%add3A_455] : memref<17017xi32, #tpu.memory_space<vmem>>[vector<16xi32>], vector<16xi32>,
        %bitcast3A_457 = vector.bitcast %gather3A_456 : vector<16xi32> to vector<32xbf16>
        %add3A_458 = arith.addf %add3A_393, %bitcast3A_457 : vector<32xbf16>
        %broadcast_in_dim3A_459 = vector.shape_cast %broadcast_in_dim3A_41 : vector<16xi32> to vector<16x1xi32>
        %gather3A_460 = vector.shape_cast %broadcast_in_dim3A_459 : vector<16x1xi32> to vector<16xi32>
        %gather3A_461 = tpu.dynamic_gather %mul3A_451[%gather3A_460] in [0] : vector<16xi32>, vector<16xi32> -> vector<16xi32>
        %add3A_462 = arith.addi %gather3A_461, %iota3A : vector<16xi32>
        %gather3A_463 = tpu.vector_load_idx %arg5[%add3A_462] : memref<17017xi32, #tpu.memory_space<vmem>>[vector<16xi32>], vector<16xi32>,
        %bitcast3A_464 = vector.bitcast %gather3A_463 : vector<16xi32> to vector<32xbf16>
        %add3A_465 = arith.addf %add3A_400, %bitcast3A_464 : vector<32xbf16>
        %broadcast_in_dim3A_466 = vector.shape_cast %broadcast_in_dim3A_43 : vector<16xi32> to vector<16x1xi32>
        %gather3A_467 = vector.shape_cast %broadcast_in_dim3A_466 : vector<16x1xi32> to vector<16xi32>
        %gather3A_468 = tpu.dynamic_gather %mul3A_451[%gather3A_467] in [0] : vector<16xi32>, vector<16xi32> -> vector<16xi32>
        %add3A_469 = arith.addi %gather3A_468, %iota3A : vector<16xi32>
        %gather3A_470 = tpu.vector_load_idx %arg5[%add3A_469] : memref<17017xi32, #tpu.memory_space<vmem>>[vector<16xi32>], vector<16xi32>,
        %bitcast3A_471 = vector.bitcast %gather3A_470 : vector<16xi32> to vector<32xbf16>
        %add3A_472 = arith.addf %add3A_407, %bitcast3A_471 : vector<32xbf16>
        %broadcast_in_dim3A_473 = vector.shape_cast %broadcast_in_dim3A_45 : vector<16xi32> to vector<16x1xi32>
        %gather3A_474 = vector.shape_cast %broadcast_in_dim3A_473 : vector<16x1xi32> to vector<16xi32>
        %gather3A_475 = tpu.dynamic_gather %mul3A_451[%gather3A_474] in [0] : vector<16xi32>, vector<16xi32> -> vector<16xi32>
        %add3A_476 = arith.addi %gather3A_475, %iota3A : vector<16xi32>
        %gather3A_477 = tpu.vector_load_idx %arg5[%add3A_476] : memref<17017xi32, #tpu.memory_space<vmem>>[vector<16xi32>], vector<16xi32>,
        %bitcast3A_478 = vector.bitcast %gather3A_477 : vector<16xi32> to vector<32xbf16>
        %add3A_479 = arith.addf %add3A_414, %bitcast3A_478 : vector<32xbf16>
        %broadcast_in_dim3A_480 = vector.shape_cast %broadcast_in_dim3A_47 : vector<16xi32> to vector<16x1xi32>
        %gather3A_481 = vector.shape_cast %broadcast_in_dim3A_480 : vector<16x1xi32> to vector<16xi32>
        %gather3A_482 = tpu.dynamic_gather %mul3A_451[%gather3A_481] in [0] : vector<16xi32>, vector<16xi32> -> vector<16xi32>
        %add3A_483 = arith.addi %gather3A_482, %iota3A : vector<16xi32>
        %gather3A_484 = tpu.vector_load_idx %arg5[%add3A_483] : memref<17017xi32, #tpu.memory_space<vmem>>[vector<16xi32>], vector<16xi32>,
        %bitcast3A_485 = vector.bitcast %gather3A_484 : vector<16xi32> to vector<32xbf16>
        %add3A_486 = arith.addf %add3A_421, %bitcast3A_485 : vector<32xbf16>
        %broadcast_in_dim3A_487 = vector.shape_cast %broadcast_in_dim3A_49 : vector<16xi32> to vector<16x1xi32>
        %gather3A_488 = vector.shape_cast %broadcast_in_dim3A_487 : vector<16x1xi32> to vector<16xi32>
        %gather3A_489 = tpu.dynamic_gather %mul3A_451[%gather3A_488] in [0] : vector<16xi32>, vector<16xi32> -> vector<16xi32>
        %add3A_490 = arith.addi %gather3A_489, %iota3A : vector<16xi32>
        %gather3A_491 = tpu.vector_load_idx %arg5[%add3A_490] : memref<17017xi32, #tpu.memory_space<vmem>>[vector<16xi32>], vector<16xi32>,
        %bitcast3A_492 = vector.bitcast %gather3A_491 : vector<16xi32> to vector<32xbf16>
        %add3A_493 = arith.addf %add3A_428, %bitcast3A_492 : vector<32xbf16>
        %broadcast_in_dim3A_494 = vector.shape_cast %broadcast_in_dim3A_51 : vector<16xi32> to vector<16x1xi32>
        %gather3A_495 = vector.shape_cast %broadcast_in_dim3A_494 : vector<16x1xi32> to vector<16xi32>
        %gather3A_496 = tpu.dynamic_gather %mul3A_451[%gather3A_495] in [0] : vector<16xi32>, vector<16xi32> -> vector<16xi32>
        %add3A_497 = arith.addi %gather3A_496, %iota3A : vector<16xi32>
        %gather3A_498 = tpu.vector_load_idx %arg5[%add3A_497] : memref<17017xi32, #tpu.memory_space<vmem>>[vector<16xi32>], vector<16xi32>,
        %bitcast3A_499 = vector.bitcast %gather3A_498 : vector<16xi32> to vector<32xbf16>
        %add3A_500 = arith.addf %add3A_435, %bitcast3A_499 : vector<32xbf16>
        %broadcast_in_dim3A_501 = vector.shape_cast %broadcast_in_dim3A_53 : vector<16xi32> to vector<16x1xi32>
        %gather3A_502 = vector.shape_cast %broadcast_in_dim3A_501 : vector<16x1xi32> to vector<16xi32>
        %gather3A_503 = tpu.dynamic_gather %mul3A_451[%gather3A_502] in [0] : vector<16xi32>, vector<16xi32> -> vector<16xi32>
        %add3A_504 = arith.addi %gather3A_503, %iota3A : vector<16xi32>
        %gather3A_505 = tpu.vector_load_idx %arg5[%add3A_504] : memref<17017xi32, #tpu.memory_space<vmem>>[vector<16xi32>], vector<16xi32>,
        %bitcast3A_506 = vector.bitcast %gather3A_505 : vector<16xi32> to vector<32xbf16>
        %add3A_507 = arith.addf %add3A_442, %bitcast3A_506 : vector<32xbf16>
        %bitcast3A_508 = vector.bitcast %add3A_458 : vector<32xbf16> to vector<16xi32>
        %shift_left3A = arith.constant 16 : i32
        %shift_left3A_509 = vector.broadcast %shift_left3A : i32 to vector<16xi32>
        %shift_left3A_510 = arith.shli %bitcast3A_508, %shift_left3A_509 : vector<16xi32>
        %bitcast3A_511 = vector.bitcast %shift_left3A_510 : vector<16xi32> to vector<16xf32>
        %and3A = arith.constant -65536 : i32
        %and3A_512 = vector.broadcast %and3A : i32 to vector<16xi32>
        %and3A_513 = arith.andi %bitcast3A_508, %and3A_512 : vector<16xi32>
        %bitcast3A_514 = vector.bitcast %and3A_513 : vector<16xi32> to vector<16xf32>
        %add3A_515 = arith.addf %scan3A_241, %bitcast3A_511 : vector<16xf32>
        %add3A_516 = arith.addf %scan3A_242, %bitcast3A_514 : vector<16xf32>
        %bitcast3A_517 = vector.bitcast %add3A_465 : vector<32xbf16> to vector<16xi32>
        %shift_left3A_518 = arith.constant 16 : i32
        %shift_left3A_519 = vector.broadcast %shift_left3A_518 : i32 to vector<16xi32>
        %shift_left3A_520 = arith.shli %bitcast3A_517, %shift_left3A_519 : vector<16xi32>
        %bitcast3A_521 = vector.bitcast %shift_left3A_520 : vector<16xi32> to vector<16xf32>
        %and3A_522 = arith.constant -65536 : i32
        %and3A_523 = vector.broadcast %and3A_522 : i32 to vector<16xi32>
        %and3A_524 = arith.andi %bitcast3A_517, %and3A_523 : vector<16xi32>
        %bitcast3A_525 = vector.bitcast %and3A_524 : vector<16xi32> to vector<16xf32>
        %add3A_526 = arith.addf %scan3A_243, %bitcast3A_521 : vector<16xf32>
        %add3A_527 = arith.addf %scan3A_244, %bitcast3A_525 : vector<16xf32>
        %bitcast3A_528 = vector.bitcast %add3A_472 : vector<32xbf16> to vector<16xi32>
        %shift_left3A_529 = arith.constant 16 : i32
        %shift_left3A_530 = vector.broadcast %shift_left3A_529 : i32 to vector<16xi32>
        %shift_left3A_531 = arith.shli %bitcast3A_528, %shift_left3A_530 : vector<16xi32>
        %bitcast3A_532 = vector.bitcast %shift_left3A_531 : vector<16xi32> to vector<16xf32>
        %and3A_533 = arith.constant -65536 : i32
        %and3A_534 = vector.broadcast %and3A_533 : i32 to vector<16xi32>
        %and3A_535 = arith.andi %bitcast3A_528, %and3A_534 : vector<16xi32>
        %bitcast3A_536 = vector.bitcast %and3A_535 : vector<16xi32> to vector<16xf32>
        %add3A_537 = arith.addf %scan3A_245, %bitcast3A_532 : vector<16xf32>
        %add3A_538 = arith.addf %scan3A_246, %bitcast3A_536 : vector<16xf32>
        %bitcast3A_539 = vector.bitcast %add3A_479 : vector<32xbf16> to vector<16xi32>
        %shift_left3A_540 = arith.constant 16 : i32
        %shift_left3A_541 = vector.broadcast %shift_left3A_540 : i32 to vector<16xi32>
        %shift_left3A_542 = arith.shli %bitcast3A_539, %shift_left3A_541 : vector<16xi32>
        %bitcast3A_543 = vector.bitcast %shift_left3A_542 : vector<16xi32> to vector<16xf32>
        %and3A_544 = arith.constant -65536 : i32
        %and3A_545 = vector.broadcast %and3A_544 : i32 to vector<16xi32>
        %and3A_546 = arith.andi %bitcast3A_539, %and3A_545 : vector<16xi32>
        %bitcast3A_547 = vector.bitcast %and3A_546 : vector<16xi32> to vector<16xf32>
        %add3A_548 = arith.addf %scan3A_247, %bitcast3A_543 : vector<16xf32>
        %add3A_549 = arith.addf %scan3A_248, %bitcast3A_547 : vector<16xf32>
        %bitcast3A_550 = vector.bitcast %add3A_486 : vector<32xbf16> to vector<16xi32>
        %shift_left3A_551 = arith.constant 16 : i32
        %shift_left3A_552 = vector.broadcast %shift_left3A_551 : i32 to vector<16xi32>
        %shift_left3A_553 = arith.shli %bitcast3A_550, %shift_left3A_552 : vector<16xi32>
        %bitcast3A_554 = vector.bitcast %shift_left3A_553 : vector<16xi32> to vector<16xf32>
        %and3A_555 = arith.constant -65536 : i32
        %and3A_556 = vector.broadcast %and3A_555 : i32 to vector<16xi32>
        %and3A_557 = arith.andi %bitcast3A_550, %and3A_556 : vector<16xi32>
        %bitcast3A_558 = vector.bitcast %and3A_557 : vector<16xi32> to vector<16xf32>
        %add3A_559 = arith.addf %scan3A_249, %bitcast3A_554 : vector<16xf32>
        %add3A_560 = arith.addf %scan3A_250, %bitcast3A_558 : vector<16xf32>
        %bitcast3A_561 = vector.bitcast %add3A_493 : vector<32xbf16> to vector<16xi32>
        %shift_left3A_562 = arith.constant 16 : i32
        %shift_left3A_563 = vector.broadcast %shift_left3A_562 : i32 to vector<16xi32>
        %shift_left3A_564 = arith.shli %bitcast3A_561, %shift_left3A_563 : vector<16xi32>
        %bitcast3A_565 = vector.bitcast %shift_left3A_564 : vector<16xi32> to vector<16xf32>
        %and3A_566 = arith.constant -65536 : i32
        %and3A_567 = vector.broadcast %and3A_566 : i32 to vector<16xi32>
        %and3A_568 = arith.andi %bitcast3A_561, %and3A_567 : vector<16xi32>
        %bitcast3A_569 = vector.bitcast %and3A_568 : vector<16xi32> to vector<16xf32>
        %add3A_570 = arith.addf %scan3A_251, %bitcast3A_565 : vector<16xf32>
        %add3A_571 = arith.addf %scan3A_252, %bitcast3A_569 : vector<16xf32>
        %bitcast3A_572 = vector.bitcast %add3A_500 : vector<32xbf16> to vector<16xi32>
        %shift_left3A_573 = arith.constant 16 : i32
        %shift_left3A_574 = vector.broadcast %shift_left3A_573 : i32 to vector<16xi32>
        %shift_left3A_575 = arith.shli %bitcast3A_572, %shift_left3A_574 : vector<16xi32>
        %bitcast3A_576 = vector.bitcast %shift_left3A_575 : vector<16xi32> to vector<16xf32>
        %and3A_577 = arith.constant -65536 : i32
        %and3A_578 = vector.broadcast %and3A_577 : i32 to vector<16xi32>
        %and3A_579 = arith.andi %bitcast3A_572, %and3A_578 : vector<16xi32>
        %bitcast3A_580 = vector.bitcast %and3A_579 : vector<16xi32> to vector<16xf32>
        %add3A_581 = arith.addf %scan3A_253, %bitcast3A_576 : vector<16xf32>
        %add3A_582 = arith.addf %scan3A_254, %bitcast3A_580 : vector<16xf32>
        %bitcast3A_583 = vector.bitcast %add3A_507 : vector<32xbf16> to vector<16xi32>
        %shift_left3A_584 = arith.constant 16 : i32
        %shift_left3A_585 = vector.broadcast %shift_left3A_584 : i32 to vector<16xi32>
        %shift_left3A_586 = arith.shli %bitcast3A_583, %shift_left3A_585 : vector<16xi32>
        %bitcast3A_587 = vector.bitcast %shift_left3A_586 : vector<16xi32> to vector<16xf32>
        %and3A_588 = arith.constant -65536 : i32
        %and3A_589 = vector.broadcast %and3A_588 : i32 to vector<16xi32>
        %and3A_590 = arith.andi %bitcast3A_583, %and3A_589 : vector<16xi32>
        %bitcast3A_591 = vector.bitcast %and3A_590 : vector<16xi32> to vector<16xf32>
        %add3A_592 = arith.addf %scan3A_255, %bitcast3A_587 : vector<16xf32>
        %add3A_593 = arith.addf %scan3A_256, %bitcast3A_591 : vector<16xf32>
        scf.yield %add3A_515, %add3A_516, %add3A_526, %add3A_527, %add3A_537, %add3A_538, %add3A_548, %add3A_549, %add3A_559, %add3A_560, %add3A_570, %add3A_571, %add3A_581, %add3A_582, %add3A_592, %add3A_593 : vector<16xf32>, vector<16xf32>, vector<16xf32>, vector<16xf32>, vector<16xf32>, vector<16xf32>, vector<16xf32>, vector<16xf32>, vector<16xf32>, vector<16xf32>, vector<16xf32>, vector<16xf32>, vector<16xf32>, vector<16xf32>, vector<16xf32>, vector<16xf32>
      }
      %scan3A_185 = arith.constant 50 : i32
      %broadcast_in_dim3A_186 = vector.shape_cast %broadcast_in_dim3A_39 : vector<16xi32> to vector<16x1xi32>
      %gather3A_187 = vector.shape_cast %broadcast_in_dim3A_186 : vector<16x1xi32> to vector<16xi32>
      %gather3A_188 = tpu.dynamic_gather %div3A_140[%gather3A_187] in [0] : vector<16xf32>, vector<16xi32> -> vector<16xf32>
      %mul3A_189 = arith.mulf %scan3A_184#0, %gather3A_188 : vector<16xf32>
      tpu.vector_store_idx %arg7[%broadcast_in_dim3A_123, %broadcast_in_dim3A_39, %mul3A_19], %mul3A_189 : memref<2x16x32xf32, #tpu.memory_space<vmem>>[vector<16xi32>, vector<16xi32>, vector<16xi32>], vector<16xf32>,
      %mul3A_190 = arith.mulf %scan3A_184#1, %gather3A_188 : vector<16xf32>
      tpu.vector_store_idx %arg7[%broadcast_in_dim3A_123, %broadcast_in_dim3A_39, %add3A_22], %mul3A_190 : memref<2x16x32xf32, #tpu.memory_space<vmem>>[vector<16xi32>, vector<16xi32>, vector<16xi32>], vector<16xf32>,
      %broadcast_in_dim3A_191 = vector.shape_cast %broadcast_in_dim3A_41 : vector<16xi32> to vector<16x1xi32>
      %gather3A_192 = vector.shape_cast %broadcast_in_dim3A_191 : vector<16x1xi32> to vector<16xi32>
      %gather3A_193 = tpu.dynamic_gather %div3A_140[%gather3A_192] in [0] : vector<16xf32>, vector<16xi32> -> vector<16xf32>
      %mul3A_194 = arith.mulf %scan3A_184#2, %gather3A_193 : vector<16xf32>
      tpu.vector_store_idx %arg7[%broadcast_in_dim3A_123, %broadcast_in_dim3A_41, %mul3A_19], %mul3A_194 : memref<2x16x32xf32, #tpu.memory_space<vmem>>[vector<16xi32>, vector<16xi32>, vector<16xi32>], vector<16xf32>,
      %mul3A_195 = arith.mulf %scan3A_184#3, %gather3A_193 : vector<16xf32>
      tpu.vector_store_idx %arg7[%broadcast_in_dim3A_123, %broadcast_in_dim3A_41, %add3A_22], %mul3A_195 : memref<2x16x32xf32, #tpu.memory_space<vmem>>[vector<16xi32>, vector<16xi32>, vector<16xi32>], vector<16xf32>,
      %broadcast_in_dim3A_196 = vector.shape_cast %broadcast_in_dim3A_43 : vector<16xi32> to vector<16x1xi32>
      %gather3A_197 = vector.shape_cast %broadcast_in_dim3A_196 : vector<16x1xi32> to vector<16xi32>
      %gather3A_198 = tpu.dynamic_gather %div3A_140[%gather3A_197] in [0] : vector<16xf32>, vector<16xi32> -> vector<16xf32>
      %mul3A_199 = arith.mulf %scan3A_184#4, %gather3A_198 : vector<16xf32>
      tpu.vector_store_idx %arg7[%broadcast_in_dim3A_123, %broadcast_in_dim3A_43, %mul3A_19], %mul3A_199 : memref<2x16x32xf32, #tpu.memory_space<vmem>>[vector<16xi32>, vector<16xi32>, vector<16xi32>], vector<16xf32>,
      %mul3A_200 = arith.mulf %scan3A_184#5, %gather3A_198 : vector<16xf32>
      tpu.vector_store_idx %arg7[%broadcast_in_dim3A_123, %broadcast_in_dim3A_43, %add3A_22], %mul3A_200 : memref<2x16x32xf32, #tpu.memory_space<vmem>>[vector<16xi32>, vector<16xi32>, vector<16xi32>], vector<16xf32>,
      %broadcast_in_dim3A_201 = vector.shape_cast %broadcast_in_dim3A_45 : vector<16xi32> to vector<16x1xi32>
      %gather3A_202 = vector.shape_cast %broadcast_in_dim3A_201 : vector<16x1xi32> to vector<16xi32>
      %gather3A_203 = tpu.dynamic_gather %div3A_140[%gather3A_202] in [0] : vector<16xf32>, vector<16xi32> -> vector<16xf32>
      %mul3A_204 = arith.mulf %scan3A_184#6, %gather3A_203 : vector<16xf32>
      tpu.vector_store_idx %arg7[%broadcast_in_dim3A_123, %broadcast_in_dim3A_45, %mul3A_19], %mul3A_204 : memref<2x16x32xf32, #tpu.memory_space<vmem>>[vector<16xi32>, vector<16xi32>, vector<16xi32>], vector<16xf32>,
      %mul3A_205 = arith.mulf %scan3A_184#7, %gather3A_203 : vector<16xf32>
      tpu.vector_store_idx %arg7[%broadcast_in_dim3A_123, %broadcast_in_dim3A_45, %add3A_22], %mul3A_205 : memref<2x16x32xf32, #tpu.memory_space<vmem>>[vector<16xi32>, vector<16xi32>, vector<16xi32>], vector<16xf32>,
      %broadcast_in_dim3A_206 = vector.shape_cast %broadcast_in_dim3A_47 : vector<16xi32> to vector<16x1xi32>
      %gather3A_207 = vector.shape_cast %broadcast_in_dim3A_206 : vector<16x1xi32> to vector<16xi32>
      %gather3A_208 = tpu.dynamic_gather %div3A_140[%gather3A_207] in [0] : vector<16xf32>, vector<16xi32> -> vector<16xf32>
      %mul3A_209 = arith.mulf %scan3A_184#8, %gather3A_208 : vector<16xf32>
      tpu.vector_store_idx %arg7[%broadcast_in_dim3A_123, %broadcast_in_dim3A_47, %mul3A_19], %mul3A_209 : memref<2x16x32xf32, #tpu.memory_space<vmem>>[vector<16xi32>, vector<16xi32>, vector<16xi32>], vector<16xf32>,
      %mul3A_210 = arith.mulf %scan3A_184#9, %gather3A_208 : vector<16xf32>
      tpu.vector_store_idx %arg7[%broadcast_in_dim3A_123, %broadcast_in_dim3A_47, %add3A_22], %mul3A_210 : memref<2x16x32xf32, #tpu.memory_space<vmem>>[vector<16xi32>, vector<16xi32>, vector<16xi32>], vector<16xf32>,
      %broadcast_in_dim3A_211 = vector.shape_cast %broadcast_in_dim3A_49 : vector<16xi32> to vector<16x1xi32>
      %gather3A_212 = vector.shape_cast %broadcast_in_dim3A_211 : vector<16x1xi32> to vector<16xi32>
      %gather3A_213 = tpu.dynamic_gather %div3A_140[%gather3A_212] in [0] : vector<16xf32>, vector<16xi32> -> vector<16xf32>
      %mul3A_214 = arith.mulf %scan3A_184#10, %gather3A_213 : vector<16xf32>
      tpu.vector_store_idx %arg7[%broadcast_in_dim3A_123, %broadcast_in_dim3A_49, %mul3A_19], %mul3A_214 : memref<2x16x32xf32, #tpu.memory_space<vmem>>[vector<16xi32>, vector<16xi32>, vector<16xi32>], vector<16xf32>,
      %mul3A_215 = arith.mulf %scan3A_184#11, %gather3A_213 : vector<16xf32>
      tpu.vector_store_idx %arg7[%broadcast_in_dim3A_123, %broadcast_in_dim3A_49, %add3A_22], %mul3A_215 : memref<2x16x32xf32, #tpu.memory_space<vmem>>[vector<16xi32>, vector<16xi32>, vector<16xi32>], vector<16xf32>,
      %broadcast_in_dim3A_216 = vector.shape_cast %broadcast_in_dim3A_51 : vector<16xi32> to vector<16x1xi32>
      %gather3A_217 = vector.shape_cast %broadcast_in_dim3A_216 : vector<16x1xi32> to vector<16xi32>
      %gather3A_218 = tpu.dynamic_gather %div3A_140[%gather3A_217] in [0] : vector<16xf32>, vector<16xi32> -> vector<16xf32>
      %mul3A_219 = arith.mulf %scan3A_184#12, %gather3A_218 : vector<16xf32>
      tpu.vector_store_idx %arg7[%broadcast_in_dim3A_123, %broadcast_in_dim3A_51, %mul3A_19], %mul3A_219 : memref<2x16x32xf32, #tpu.memory_space<vmem>>[vector<16xi32>, vector<16xi32>, vector<16xi32>], vector<16xf32>,
      %mul3A_220 = arith.mulf %scan3A_184#13, %gather3A_218 : vector<16xf32>
      tpu.vector_store_idx %arg7[%broadcast_in_dim3A_123, %broadcast_in_dim3A_51, %add3A_22], %mul3A_220 : memref<2x16x32xf32, #tpu.memory_space<vmem>>[vector<16xi32>, vector<16xi32>, vector<16xi32>], vector<16xf32>,
      %broadcast_in_dim3A_221 = vector.shape_cast %broadcast_in_dim3A_53 : vector<16xi32> to vector<16x1xi32>
      %gather3A_222 = vector.shape_cast %broadcast_in_dim3A_221 : vector<16x1xi32> to vector<16xi32>
      %gather3A_223 = tpu.dynamic_gather %div3A_140[%gather3A_222] in [0] : vector<16xf32>, vector<16xi32> -> vector<16xf32>
      %mul3A_224 = arith.mulf %scan3A_184#14, %gather3A_223 : vector<16xf32>
      tpu.vector_store_idx %arg7[%broadcast_in_dim3A_123, %broadcast_in_dim3A_53, %mul3A_19], %mul3A_224 : memref<2x16x32xf32, #tpu.memory_space<vmem>>[vector<16xi32>, vector<16xi32>, vector<16xi32>], vector<16xf32>,
      %mul3A_225 = arith.mulf %scan3A_184#15, %gather3A_223 : vector<16xf32>
      tpu.vector_store_idx %arg7[%broadcast_in_dim3A_123, %broadcast_in_dim3A_53, %add3A_22], %mul3A_225 : memref<2x16x32xf32, #tpu.memory_space<vmem>>[vector<16xi32>, vector<16xi32>, vector<16xi32>], vector<16xf32>,
      %mul3A_226 = arith.constant 16 : i32
      %mul3A_227 = arith.muli %add3A_103, %mul3A_226 : i32
      %dma_start3A_228 = arith.constant 0 : i32
      %dma_start3A_229 = arith.constant 0 : i32
      %dma_start3A_230 = tpu.memref_slice %arg7[%rem3A_104, %dma_start3A_228, %dma_start3A_229] : memref<2x16x32xf32, #tpu.memory_space<vmem>> -> memref<1x16x32xf32, #tpu.memory_space<vmem>>
      %dma_start3A_231 = tpu.memref_squeeze %dma_start3A_230 : memref<1x16x32xf32, #tpu.memory_space<vmem>> -> memref<16x32xf32, #tpu.memory_space<vmem>>
      %dma_start3A_232 = arith.constant 0 : i32
      %dma_start3A_233 = tpu.memref_slice %arg4[%mul3A_227, %dma_start3A_232] : memref<16384x32xf32, #tpu.memory_space<hbm>> -> memref<16x32xf32, #tpu.memory_space<hbm>>
      %dma_start3A_234 = arith.constant 0 : i32
      %dma_start3A_235 = tpu.memref_slice %arg4[%mul3A_227, %dma_start3A_234] : memref<16384x32xf32, #tpu.memory_space<hbm>> -> memref<16x32xf32, #tpu.memory_space<hbm>>
      %dma_start3A_236 = arith.constant 0 : i32
      %dma_start3A_237 = arith.constant 0 : i32
      %dma_start3A_238 = tpu.memref_slice %arg7[%rem3A_104, %dma_start3A_236, %dma_start3A_237] : memref<2x16x32xf32, #tpu.memory_space<vmem>> -> memref<1x16x32xf32, #tpu.memory_space<vmem>>
      %dma_start3A_239 = tpu.memref_squeeze %dma_start3A_238 : memref<1x16x32xf32, #tpu.memory_space<vmem>> -> memref<16x32xf32, #tpu.memory_space<vmem>>
      tpu.enqueue_dma source(%dma_start3A_239 : memref<16x32xf32, #tpu.memory_space<vmem>>) target(%dma_start3A_235 : memref<16x32xf32, #tpu.memory_space<hbm>>) target_semaphore(%arg10 : memref<!tpu.dma_semaphore, #tpu.memory_space<semaphore_mem>>)
    }
    %scan3A_62 = arith.constant 32 : i32
    %mul3A_63 = arith.constant 32 : i32
    %mul3A_64 = arith.muli %add3A, %mul3A_63 : i32
    %add3A_65 = arith.constant 30 : i32
    %add3A_66 = arith.addi %mul3A_64, %add3A_65 : i32
    %mul3A_67 = arith.constant 16 : i32
    %mul3A_68 = arith.muli %add3A_66, %mul3A_67 : i32
    %dma_wait3A = arith.constant 0 : i32
    %dma_wait3A_69 = arith.constant 0 : i32
    %dma_wait3A_70 = arith.constant 0 : i32
    %dma_wait3A_71 = tpu.memref_slice %arg7[%dma_wait3A, %dma_wait3A_69, %dma_wait3A_70] : memref<2x16x32xf32, #tpu.memory_space<vmem>> -> memref<1x16x32xf32, #tpu.memory_space<vmem>>
    %dma_wait3A_72 = tpu.memref_squeeze %dma_wait3A_71 : memref<1x16x32xf32, #tpu.memory_space<vmem>> -> memref<16x32xf32, #tpu.memory_space<vmem>>
    %dma_wait3A_73 = arith.constant 0 : i32
    %dma_wait3A_74 = tpu.memref_slice %arg4[%mul3A_68, %dma_wait3A_73] : memref<16384x32xf32, #tpu.memory_space<hbm>> -> memref<16x32xf32, #tpu.memory_space<hbm>>
    %dma_wait3A_75 = arith.constant 0 : i32
    %dma_wait3A_76 = tpu.memref_slice %arg4[%mul3A_68, %dma_wait3A_75] : memref<16384x32xf32, #tpu.memory_space<hbm>> -> memref<16x32xf32, #tpu.memory_space<hbm>>
    %dma_wait3A_77 = arith.constant 0 : i32
    %dma_wait3A_78 = arith.constant 0 : i32
    %dma_wait3A_79 = tpu.memref_slice %arg7[%dma_wait3A, %dma_wait3A_77, %dma_wait3A_78] : memref<2x16x32xf32, #tpu.memory_space<vmem>> -> memref<1x16x32xf32, #tpu.memory_space<vmem>>
    %dma_wait3A_80 = tpu.memref_squeeze %dma_wait3A_79 : memref<1x16x32xf32, #tpu.memory_space<vmem>> -> memref<16x32xf32, #tpu.memory_space<vmem>>
    tpu.wait_dma2 semaphore(%arg10 : memref<!tpu.dma_semaphore, #tpu.memory_space<semaphore_mem>>) src(%dma_wait3A_80 : memref<16x32xf32, #tpu.memory_space<vmem>>) dst(%dma_wait3A_76 : memref<16x32xf32, #tpu.memory_space<hbm>>)
    %mul3A_81 = arith.constant 32 : i32
    %mul3A_82 = arith.muli %add3A, %mul3A_81 : i32
    %add3A_83 = arith.constant 31 : i32
    %add3A_84 = arith.addi %mul3A_82, %add3A_83 : i32
    %mul3A_85 = arith.constant 16 : i32
    %mul3A_86 = arith.muli %add3A_84, %mul3A_85 : i32
    %dma_wait3A_87 = arith.constant 1 : i32
    %dma_wait3A_88 = arith.constant 0 : i32
    %dma_wait3A_89 = arith.constant 0 : i32
    %dma_wait3A_90 = tpu.memref_slice %arg7[%dma_wait3A_87, %dma_wait3A_88, %dma_wait3A_89] : memref<2x16x32xf32, #tpu.memory_space<vmem>> -> memref<1x16x32xf32, #tpu.memory_space<vmem>>
    %dma_wait3A_91 = tpu.memref_squeeze %dma_wait3A_90 : memref<1x16x32xf32, #tpu.memory_space<vmem>> -> memref<16x32xf32, #tpu.memory_space<vmem>>
    %dma_wait3A_92 = arith.constant 0 : i32
    %dma_wait3A_93 = tpu.memref_slice %arg4[%mul3A_86, %dma_wait3A_92] : memref<16384x32xf32, #tpu.memory_space<hbm>> -> memref<16x32xf32, #tpu.memory_space<hbm>>
    %dma_wait3A_94 = arith.constant 0 : i32
    %dma_wait3A_95 = tpu.memref_slice %arg4[%mul3A_86, %dma_wait3A_94] : memref<16384x32xf32, #tpu.memory_space<hbm>> -> memref<16x32xf32, #tpu.memory_space<hbm>>
    %dma_wait3A_96 = arith.constant 0 : i32
    %dma_wait3A_97 = arith.constant 0 : i32
    %dma_wait3A_98 = tpu.memref_slice %arg7[%dma_wait3A_87, %dma_wait3A_96, %dma_wait3A_97] : memref<2x16x32xf32, #tpu.memory_space<vmem>> -> memref<1x16x32xf32, #tpu.memory_space<vmem>>
    %dma_wait3A_99 = tpu.memref_squeeze %dma_wait3A_98 : memref<1x16x32xf32, #tpu.memory_space<vmem>> -> memref<16x32xf32, #tpu.memory_space<vmem>>
    tpu.wait_dma2 semaphore(%arg10 : memref<!tpu.dma_semaphore, #tpu.memory_space<semaphore_mem>>) src(%dma_wait3A_99 : memref<16x32xf32, #tpu.memory_space<vmem>>) dst(%dma_wait3A_95 : memref<16x32xf32, #tpu.memory_space<hbm>>)
    return
  }
}

</mosaic_0001>

<sc_bundles>
// kernel: kernel.3.cloned.1.call-start
scs
__scs_entry_jumppad:
0x0: {  	(pc) =	sbr.rel $0x88, $3  }
0x1: {  	(tag) =	ssettag $0x0;
	lr =	simm.s32 $0x1  }
0x2: {  	[smem:$0x3F9F] =	sst lr;
	_ =	strace $0xD0000000  }
0x3: {  	_ = 	snop  }
0x4: {  	_ = 	snop  }
0x5: {  	_ = 	snop  }
0x6: {  	_ = 	snop  }
0x7: {  	_ = 	snop  }
__scs_overlays_trampoline_lowered:
0x8: {  	[smem:$0x3FAE] =	sst s0  }
0x9: {  	[smem:$0x3FAF] =	sst s1  }
0xa: {  	[smem:$0x3FB0] =	sst s2  }
0xb: {  	[smem:$0x3FB1] =	sst s3  }
0xc: {  	[smem:$0x3FB2] =	sst s4  }
0xd: {  	[smem:$0x3FB3] =	sst s5  }
0xe: {  	[smem:$0x3FB4] =	sst s6  }
0xf: {  	[smem:$0x3FB5] =	sst s7  }
0x10: {  	[smem:$0x3FB6] =	sst s8  }
0x11: {  	[smem:$0x3FB7] =	sst s9;
	s0 =	simm.s32 @!p0 $0x0  }
0x12: {  	s1 =	sld [smem:$0x3F9D];
	s0 =	simm.s32 @p0 $0x1  }
0x13: {  	[smem:$0x3FB8] =	sst s0;
	s0 =	simm.s32 @!p1 $0x0  }
0x14: {  	s2 =	sld [smem:$0x3F9C];
	s0 =	simm.s32 @p1 $0x1  }
0x15: {  	[smem:$0x3FB9] =	sst s0;
	s0 =	simm.s32 @!p2 $0x0  }
0x16: {  	s3 =	sld [smem:$0x3FDB];
	s0 =	simm.s32 @p2 $0x1  }
0x17: {  	s4 =	simm.s32 $0x1BF5;
	[smem:$0x3FBB] =	sst s0  }
0x18: {  	s0 =	sld [smem:$0x3F9E];
	_ =	swait.ge [sflag:s4], $0x0  }
0x19: {  	s7 =	sld [smem:$0x3F9F]  }
0x1a: {  	s8 =	sadd.s32 $0xFFFFE003, lr  }
0x1b: {  	s9 =	sadd.s32 $0xFFFFFEF7, lr;
	s5 =	simm.s32 $0xFFFFFFFF;
	p2 =	slt.u32 s8, $0xFFFFF086  }
0x1c: {  	p1 =	slt.u32 s9, $0xF7A;
	s5 =	simm.s32 @!p2 $0x0  }
0x1d: {  	s5 =	simm.s32 @p1 $0x1;
	p0 =	seq.s32 s7, s2  }
0x1e: {  	s7 =	smul.u32 @!p0 $0xF7A, s2;
	p2 =	seq.s32 @!p0 s5, $0x0  }
0x1f: {  	s9 =	smul.u32 $0xF7A, s1;
	s8 =	simm.s32 @!p0 $0x1BF5;
	p2 =	por !p2, p0  }
0x20: {  	[sflag:s8] =	ssyncset.s32 @!p0 $0xFFFFF086;
	s6 =	sadd.s32 @!p0 s3, s7;
	s7 =	simm.s32 @!p0 $0x108  }
0x21: {  	s3 =	sadd.s32 s3, s9;
	s6 =	sadd.s32 @!p0 $0x88, s6;
	s7 =	simm.s32 @p2 $0x1082  }
0x22: {  	[simem:s7], [sflag:s8] =	dma.local @!p0 [hbm:s6], $0xF7A  }
0x23: {  	s9 =	sor.u32 $0xD0000000, s2;
	s6 =	simm.s32 $0x108;
	_ =	swait.ge @!p0 [sflag:s8], $0x0  }
0x24: {  	s3 =	sadd.s32 $0x88, s3;
	s6 =	simm.s32 @!p1 $0x1082;
	[sflag:s4] =	ssyncset.s32 $0xFFFFF086  }
0x25: {  	[simem:s6], [sflag:s4] =	dma.local [hbm:s3], $0xF7A  }
0x26: {  	[smem:$0x3F9F] =	sst s1;
	(tag) =	ssettag s2;
	_ =	strace s9  }
0x27: {  	s1 =	sld [smem:$0x3FAF]  }
0x28: {  	s2 =	sld [smem:$0x3FB0]  }
0x29: {  	s4 =	sld [smem:$0x3FB2]  }
0x2a: {  	p0 =	seq.s32 s5, $0x0;
	s5 =	sld [smem:$0x3FB3]  }
0x2b: {  	s6 =	sld [smem:$0x3FB4]  }
0x2c: {  	s7 =	sld [smem:$0x3FB5]  }
0x2d: {  	s3 =	simm.s32 $0x108;
	s8 =	sld [smem:$0x3FB6]  }
0x2e: {  	s3 =	simm.s32 @!p0 $0x1082;
	s9 =	sld [smem:$0x3FB7]  }
0x2f: {  	lr =	sadd.s32 s0, s3;
	s0 =	sld [smem:$0x3FAE]  }
0x30: {  	s3 =	sld [smem:$0x3FB1]  }
0x31: {  	[smem:$0x3FBA] =	sst s10  }
0x32: {  	s10 =	sld [smem:$0x3FB8];
	_ =	sdelay $0x3  }
0x33: {  	p0 =	seq.s32 s10, $0x1;
	s10 =	sld [smem:$0x3FBA];
	_ =	sdelay $0x3  }
0x34: {  	[smem:$0x3FBA] =	sst s10  }
0x35: {  	s10 =	sld [smem:$0x3FB9];
	_ =	sdelay $0x3  }
0x36: {  	p1 =	seq.s32 s10, $0x1;
	s10 =	sld [smem:$0x3FBA];
	_ =	sdelay $0x3  }
0x37: {  	[smem:$0x3FBA] =	sst s10  }
0x38: {  	s10 =	sld [smem:$0x3FBB]  }
0x39: {  	_ = 	snop;
	(pc) =	sbr.ind lr, $3  }
0x3a: {  	_ = 	snop  }
0x3b: {  	_ = 	snop  }
0x3c: {  	p2 =	seq.s32 s10, $0x1;
	s10 =	sld [smem:$0x3FBA]  }
0x3d: {  	_ =	shalt  }
0x3e: {  	_ =	shalt  }
0x3f: {  	_ =	shalt  }
0x40: {  	_ =	shalt  }
0x41: {  	_ =	shalt  }
0x42: {  	_ =	shalt  }
0x43: {  	_ =	shalt  }
0x44: {  	_ =	shalt  }
0x45: {  	_ =	shalt  }
0x46: {  	_ =	shalt  }
0x47: {  	_ =	shalt  }
0x48: {  	_ =	shalt  }
0x49: {  	_ =	shalt  }
0x4a: {  	_ =	shalt  }
0x4b: {  	_ =	shalt  }
0x4c: {  	_ =	shalt  }
0x4d: {  	_ =	shalt  }
0x4e: {  	_ =	shalt  }
0x4f: {  	_ =	shalt  }
0x50: {  	_ =	shalt  }
0x51: {  	_ =	shalt  }
0x52: {  	_ =	shalt  }
0x53: {  	_ =	shalt  }
0x54: {  	_ =	shalt  }
0x55: {  	_ =	shalt  }
0x56: {  	_ =	shalt  }
0x57: {  	_ =	shalt  }
0x58: {  	_ =	shalt  }
0x59: {  	_ =	shalt  }
0x5a: {  	_ =	shalt  }
0x5b: {  	_ =	shalt  }
0x5c: {  	_ =	shalt  }
0x5d: {  	_ =	shalt  }
0x5e: {  	_ =	shalt  }
0x5f: {  	_ =	shalt  }
0x60: {  	_ =	shalt  }
0x61: {  	_ =	shalt  }
0x62: {  	_ =	shalt  }
0x63: {  	_ =	shalt  }
0x64: {  	_ =	shalt  }
0x65: {  	_ =	shalt  }
0x66: {  	_ =	shalt  }
0x67: {  	_ =	shalt  }
0x68: {  	_ =	shalt  }
0x69: {  	_ =	shalt  }
0x6a: {  	_ =	shalt  }
0x6b: {  	_ =	shalt  }
0x6c: {  	_ =	shalt  }
0x6d: {  	_ =	shalt  }
0x6e: {  	_ =	shalt  }
0x6f: {  	_ =	shalt  }
0x70: {  	_ =	shalt  }
0x71: {  	_ =	shalt  }
0x72: {  	_ =	shalt  }
0x73: {  	_ =	shalt  }
0x74: {  	_ =	shalt  }
0x75: {  	_ =	shalt  }
0x76: {  	_ =	shalt  }
0x77: {  	_ =	shalt  }
0x78: {  	_ =	shalt  }
0x79: {  	_ =	shalt  }
0x7a: {  	_ =	shalt  }
0x7b: {  	_ =	shalt  }
0x7c: {  	_ =	shalt  }
0x7d: {  	_ =	shalt  }
0x7e: {  	_ =	shalt  }
0x7f: {  	_ =	shalt  }
0x80: {  	_ =	shalt  }
0x81: {  	_ =	shalt  }
0x82: {  	_ =	shalt  }
0x83: {  	_ =	shalt  }
0x84: {  	_ =	shalt  }
0x85: {  	_ =	shalt  }
0x86: {  	_ =	shalt  }
0x87: {  	_ =	shalt  }
.Lfunc_end0:
.L_simem_size_0:
called_computation_lowered:
.L_overlay_start_0:
0x88: {  	s2 =	sld [smem:$0x3FD9]  }
0x89: {  	s3 =	sld [smem:$0x3FFE];
	_ =	sdelay $0x1  }
0x8a: {  	s1 =	srdreg.scid  }
0x8b: {  	s0 =	sand.u32 $0x1, s1  }
0x8c: {  	s17 =	sshll.u32 s0, $0xA;
	s2 =	sadd.s32 s3, s2  }
0x8d: {  	s2 =	sadd.s32 s2, s17  }
0x8e: {  	[smem:$0x3FC6] =	sst s2  }
0x8f: {  	_ = 	snop  }
0x90: {  	s2 =	sld [smem:$0x3FD0];
	(tm) =	ssettm $0x1  }
0x91: {  	s18 =	sld [smem:$0x3FFB];
	_ =	sdelay $0x3  }
0x92: {  	_ =	strace s18  }
0x93: {  	s3 =	sld [smem:$0x3FFC];
	_ =	sdelay $0x3  }
0x94: {  	_ =	strace s3  }
0x95: {  	s3 =	sld [smem:$0x3FFD];
	_ =	sdelay $0x3  }
0x96: {  	_ =	strace s3  }
0x97: {  	_ =	strace $0x8FFFFFFF  }
0x98: {  	s19 =	sld [smem:$0x3FDB];
	_ =	sdelay $0x1  }
0x99: {  	s4 =	simm.s32 $_scs_section_size  }
0x9a: {  	s5 =	simm.s32 $_size__tile_overlayer_lowered;
	s6 =	simm.s32 $_tile_overlayer_lowered  }
0x9b: {  	s22 =	simm.s32 $0x1BFF;
	s21 =	sshll.u32 s6, $0x1;
	s3 =	sadd.s32 s4, s19  }
0x9c: {  	s7 =	simm.s32 $0x0;
	s20 =	sshll.u32 s5, $0x1;
	s5 =	sadd.s32 s21, s3  }
0x9d: {  	[timem:s7], [sflag:s22] =	dma.local [hbm:s5], s20  }
0x9e: {  	_ =	swait.ge [sflag:s22], s20  }
0x9f: {  	s4 =	ssub.s32 $0x0, s20;
	[sflag:s22] =	ssyncset.done $0x0  }
0xa0: {  	[sflag:s22] =	ssyncadd.s32 s4;
	_ =	sdelay $0x1  }
0xa1: {  	s23 =	simm.s32 $0x1B8B  }
0xa2: {  	_ =	swait.ge [sflag:s23], $0x1  }
0xa3: {  	[sflag:s23] =	ssyncset.done $0x0  }
0xa4: {  	s25 =	simm.s32 $0x1B8E;
	s24 =	sld [smem:$0x3FFE];
	[sflag:s23] =	ssyncadd.s32 $0xFFFFFFFF  }
0xa5: {  	s26 =	simm.s32 $execute0_lowered;
	[smem:$0x3FD2] =	sst s25  }
0xa6: {  	s5 =	sshll.u32 s26, $0x1;
	_ =	strace $0x80000046;
	[dreg:$0x1] =	wrdreg $0xFFFFFFFF  }
0xa7: {  	s28 =	simm.s32 $_size_execute0_lowered;
	s3 =	sadd.s32 s3, s5;
	[dreg:$0x0] =	wrdreg $0x0  }
0xa8: {  	s5 =	sshll.u32 s28, $0x1;
	[dreg:$0x2] =	wrdreg s3  }
0xa9: {  	[dreg:$0x3] =	wrdreg s5  }
0xaa: {  	[dreg:$0x4] =	wrdreg $0xC0  }
0xab: {  	_ =	task [dreg:s7], $0x5FFFF  }
0xac: {  	[dreg:$0x1] =	wrdreg $0xFFFFFFFF  }
0xad: {  	[dreg:$0x0] =	wrdreg $0x60  }
0xae: {  	[dreg:$0x2] =	wrdreg s24  }
0xaf: {  	[dreg:$0x3] =	wrdreg s2  }
0xb0: {  	[dreg:$0x4] =	wrdreg $0x9  }
0xb1: {  	_ =	task.clear_ibuf [dreg:s7], $0x5FFFF;
	_ =	strace $0x90000046  }
0xb2: {  	s29 =	simm.s32 $0x9;
	_ =	strace $0x80000048  }
0xb3: {  	_ =	swait.ge [sflag:s29], $0x1  }
0xb4: {  	[sflag:s29] =	ssyncadd.s32 $0xFFFFFFFF  }
0xb5: {  	_ =	strace $0x90000048  }
0xb6: {  	_ =	sfence  }
0xb7: {  	s30 =	sld [smem:$0x0];
	_ =	sdelay $0x2  }
0xb8: {  	s31 =	sshll.u32 s1, $0xD;
	s1 =	sshrl.u32 s1, $0x2  }
0xb9: {  	s3 =	sand.u32 $0x4000, s31;
	s1 =	sadd.s32 s1, s30  }
0xba: {  	s0 =	sor.u32 s3, s0;
	s1 =	sshll.u32 s1, $0x11  }
0xbb: {  	s0 =	sor.u32 s1, s0  }
0xbc: {  	s0 =	sadd.s32 $0x8F2B, s0  }
0xbd: {  	[sflag:s0] =	ssyncadd.remote.s32 $0x1  }
0xbe: {  	_ =	sfence.sel $0xFFFF  }
0xbf: {  	[dreg:$0x0] =	wrdreg $0xFFFFFFFF;
	(pc) =	sbr.abs _section_cstart, $3  }
0xc0: {  	[dreg:$0x1] =	wrdreg $0xFFFFFFFF  }
0xc1: {  	_ =	task.clear_ibuf [dreg:s7], $0x2FFFF;
	_ =	strace $0x9FFFFFFF  }
0xc2: {  	(tm) =	ssettm $0x7FFFFFFF  }
0xc3: {  	_ =	shalt  }
tec
execute0_lowered:
.L_overlay_start_1:
0x0: {  	(tag) =	ssettag $0x1  }
0x1: {  	v0 =	vlaneseq.u32  }
0x2: {  	v2 =	vmul.u32 $0xC8, v0;
	v26 =	vmul.u32 $0x2, v0;
	_ =	sdelay $0x1  }
0x3: {  	[tilespmem:$0x1FEF0] =	vst v2;
	v2 =	vor.u32 $0x1, v26  }
0x4: {  	[tilespmem:$0x1FF00] =	vst v2;
	v2 =	vor.u32 $0x20, v26  }
0x5: {  	[tilespmem:$0x1FF10] =	vst v2;
	v2 =	vor.u32 $0x21, v26  }
0x6: {  	[tilespmem:$0x1FF20] =	vst v2;
	v2 =	vor.u32 $0x40, v26  }
0x7: {  	[tilespmem:$0x1FF30] =	vst v2;
	v2 =	vor.u32 $0x41, v26  }
0x8: {  	[tilespmem:$0x1FF40] =	vst v2;
	v2 =	vor.u32 $0x60, v26  }
0x9: {  	s5 =	rddreg [dreg:$0x0];
	[tilespmem:$0x1FF50] =	vst v2;
	v2 =	vor.u32 $0x61, v26  }
0xa: {  	s2 =	rddreg [dreg:$0x1];
	s3 =	simm.s32 $0x0;
	[tilespmem:$0x1FF60] =	vst v2;
	v2 =	vor.u32 $0x80, v26  }
0xb: {  	s1 =	srdreg.scid;
	[smem:$0x7FF] =	sst s3;
	[tilespmem:$0x1FF70] =	vst v2;
	v2 =	vor.u32 $0x81, v26  }
0xc: {  	s4 =	sand.u32 $0x1, s1;
	s1 =	rddreg [dreg:$0x2];
	_ =	strace $0x80000047;
	[tilespmem:$0x1FF80] =	vst v2  }
0xd: {  	s0 =	stileid.u32;
	v2 =	vor.u32 $0xA0, v26;
	[tilespmem:$0x1FFF0] =	vst v26  }
0xe: {  	s10 =	simm.s32 $0x3;
	s11 =	simm.s32 $0x1;
	s12 =	simm.s32 $0x2;
	[tilespmem:$0x1FF90] =	vst v2;
	v2 =	vor.u32 $0xA1, v26  }
0xf: {  	s13 =	simm.s32 $0x5F80;
	s14 =	simm.s32 $0x5B80;
	s6 =	sshll.u32 s0, $0x1;
	[tilespmem:$0x1FFA0] =	vst v2;
	v2 =	vor.u32 $0xC0, v26  }
0x10: {  	s15 =	simm.s32 $0x0;
	s7 =	sor.u32 s4, s6;
	s31 =	ssub.s32 $0x2, s4;
	[tilespmem:$0x1FFB0] =	vst v2;
	v2 =	vor.u32 $0xC1, v26  }
0x11: {  	s4 =	sadd.s32 $0x200, s5;
	s8 =	smul.u32 $0x3200, s7;
	s9 =	sshrl.u32 s31, $0x1;
	[tilespmem:$0x1FFC0] =	vst v2;
	v2 =	vor.u32 $0xE0, v26  }
0x12: {  	v1 =	vimm.s32 $0x0;
	s5 =	sadd.s32 $0x64200, s5;
	s7 =	sshll.u32 s7, $0x5;
	s9 =	ssub.s32 s31, s9;
	[tilespmem:$0x1FFD0] =	vst v2;
	v2 =	vor.u32 $0xE1, v26  }
0x13: {  	v30 =	vimm.s32 $0xD;
	v31 =	vimm.s32 $0xE;
	v33 =	vimm.s32 $0xF;
	s6 =	sadd.s32 s4, s8;
	s8 =	smax.u32 s9, $0x1;
	s9 =	simm.s32 $0x4280;
	[tilespmem:$0x1FFE0] =	vst v2  }
.LBB2_1:
0x14: {  	[tilespmem:s9], [sflag:$0x1] =	stream.linear.gather [hbm4b:s6+s3], $0xC80, $0x38;
	[tilespmem:$0x5F90] =	vst v63  }
0x15: {  	_ = 	snop  }
0x16: {  	[tilespmem:s3], [sflag:$0x3] =	stream.linear.gather [hbm4b:s5+s3], $0x4280, $0x38;
	[tilespmem:$0x5F90] =	vst v63  }
0x17: {  	_ =	swait.ge [sflag:s10], $0x4280  }
0x18: {  	[sflag:s10] =	ssyncset.done $0x0  }
0x19: {  	s16 =	simm.s32 $0x0;
	[sflag:s10] =	ssyncadd.s32 $0xFFFFBD80  }
.LBB2_2:
0x1a: {  	p0 =	sne.s32 s16, $0x1F  }
.Ltmp0:
0x1b: {  	_ = 	snop;
	(pc) =	sbr.rel @p0 .LBB2_4-.Ltmp0, $4  }
0x1c: {  	_ = 	snop  }
0x1d: {  	_ =	swait.ge [sflag:s11], $0xC80  }
0x1e: {  	s17 =	sand.u32 $0x1, s16;
	[sflag:s11] =	ssyncset.done $0x0  }
0x1f: {  	s18 =	sadd.s32 s7, s16;
	v32 =	vmov s17;
	[sflag:s11] =	ssyncadd.s32 $0xFFFFF380  }
.Ltmp1:
0x20: {  	(pc) =	sbr.rel .LBB2_5-.Ltmp1, $4  }
0x21: {  	_ = 	snop  }
0x22: {  	v7 =	vimm.s32 $0x4  }
0x23: {  	v8 =	vimm.s32 $0x1;
	v9 =	vimm.s32 $0x2;
	v10 =	vimm.s32 $0x3  }
0x24: {  	v27 =	vimm.s32 $0x5;
	v28 =	vimm.s32 $0x6;
	v29 =	vimm.s32 $0x7  }
.LBB2_4:
0x25: {  	s19 =	smul.u32 $0xC80, s18;
	s20 =	sxor.u32 $0x1, s17  }
0x26: {  	p0 =	slt.u32 s16, $0x2;
	s20 =	smul.u32 $0x3200, s20  }
.Ltmp2:
0x27: {  	_ = 	snop;
	(pc) =	sbr.rel @p0 .LBB2_6-.Ltmp2, $4  }
0x28: {  	s19 =	sshrl.u32 s19, $0x3  }
0x29: {  	v7 =	vimm.s32 $0x4;
	s20 =	sshrl.u32 s20, $0x2;
	s19 =	sadd.s32 s4, s19  }
0x2a: {  	v8 =	vimm.s32 $0x1;
	v9 =	vimm.s32 $0x2;
	v10 =	vimm.s32 $0x3;
	s20 =	sadd.s32 $0x4280, s20;
	s19 =	sadd.s32 $0x190, s19  }
0x2b: {  	v27 =	vimm.s32 $0x5;
	v28 =	vimm.s32 $0x6;
	v29 =	vimm.s32 $0x7;
	[tilespmem:s20], [sflag:$0x1] =	stream.linear.gather [hbm4b:s19+s3], $0xC80, $0x38;
	[tilespmem:$0x5F90] =	vst v63  }
.LBB2_5:
0x2c: {  	_ =	swait.ge [sflag:s12], $0x200  }
0x2d: {  	[sflag:s12] =	ssyncset.done $0x0  }
0x2e: {  	[sflag:s12] =	ssyncadd.s32 $0xFFFFFE00  }
.LBB2_6:
0x2f: {  	v3 =	vld [tilespmem:$0x1FEF0];
	_ =	sdelay $0x2  }
0x30: {  	v2 =	vmul.u32 $0xC80, v32;
	s19 =	simm.s32 $0x0  }
0x31: {  	v6 =	vmov s19  }
0x32: {  	v34 =	vadd.s32 v3, v2;
	v2 =	vand.u32 $0xF8, v6  }
0x33: {  	v6 =	vand.u32 $0x4, v6;
	v2 =	vadd.s32 v34, v2  }
0x34: {  	v2 =	vor.u32 v6, v2;
	_ =	sdelay $0x3  }
0x35: {  	[tilespmem:$0x5F80] =	vst v1  }
0x36: {  	v2 =	vld.idx.msk [tilespmem:v2+s9+$0x0], $0xffff;
	_ =	sdelay $0x2  }
0x37: {  	s26 =	simm.s32 $0x1  }
0x38: {  	v6 =	vmov s26  }
0x39: {  	v11 =	vand.u32 $0xF8, v6;
	v12 =	vmul.u32 $0x11, v2  }
0x3a: {  	v6 =	vand.u32 $0x5, v6;
	v11 =	vadd.s32 v34, v11  }
0x3b: {  	v6 =	vor.u32 v6, v11;
	v11 =	vperm.xlane v12, v9  }
0x3c: {  	v13 =	vperm.xlane v12, v1  }
0x3d: {  	vm0 =	vne.s32 v2, $0x0;
	v2 =	vperm.xlane v12, v7;
	v11 =	vadd.s32 v0, v11  }
0x3e: {  	v15 =	vperm.xlane v12, v27;
	v13 =	vadd.s32 v0, v13  }
0x3f: {  	v14 =	vsel vm0, $0x1, v1;
	v16 =	vperm.xlane v12, v29;
	v2 =	vadd.s32 v0, v2  }
0x40: {  	[tilespmem:s13+$0x0] =	vst.add.s32.msk $0xffff, v14;
	v14 =	vperm.xlane v12, v28;
	v15 =	vadd.s32 v0, v15  }
0x41: {  	v17 =	vperm.xlane v12, v10;
	v6 =	vld.idx.msk [tilespmem:v6+s9+$0x0], $0xffff;
	v16 =	vadd.s32 v0, v16  }
0x42: {  	s28 =	simm.s32 $0x2;
	v12 =	vperm.xlane v12, v8;
	v14 =	vadd.s32 v0, v14;
	v11 =	vld.idx.msk [tilespmem:v11+s3+$0x0], $0xffff  }
0x43: {  	v18 =	vmov s28;
	v17 =	vadd.s32 v0, v17;
	v13 =	vld.idx.msk [tilespmem:v13+s3+$0x0], $0xffff  }
0x44: {  	v19 =	vand.u32 $0xF8, v18;
	v12 =	vadd.s32 v0, v12;
	v2 =	vld.idx.msk [tilespmem:v2+s3+$0x0], $0xffff  }
0x45: {  	v18 =	vand.u32 $0x6, v18;
	v19 =	vadd.s32 v34, v19;
	v15 =	vld.idx.msk [tilespmem:v15+s3+$0x0], $0xffff  }
0x46: {  	v18 =	vor.u32 v18, v19;
	v20 =	vmul.u32 $0x11, v6;
	v16 =	vld.idx.msk [tilespmem:v16+s3+$0x0], $0xffff  }
0x47: {  	v14 =	vld.idx.msk [tilespmem:v14+s3+$0x0], $0xffff  }
0x48: {  	vm10 =	vne.s32 v6, $0x0;
	v17 =	vld.idx.msk [tilespmem:v17+s3+$0x0], $0xffff;
	v19 =	vperm.xlane v20, v28  }
0x49: {  	v12 =	vld.idx.msk [tilespmem:v12+s3+$0x0], $0xffff;
	v21 =	vsel vm10, $0x1, v1;
	v6 =	vperm.xlane v20, v29  }
0x4a: {  	v22 =	vperm.xlane v20, v8;
	[tilespmem:s13+$0x0] =	vst.add.s32.msk $0xffff, v21;
	v19 =	vadd.s32 v0, v19  }
0x4b: {  	s29 =	simm.s32 $0x3;
	v36 =	vimm.f32 $0.0e+00;
	v21 =	vperm.xlane v20, v7;
	v18 =	vld.idx.msk [tilespmem:v18+s9+$0x0], $0xffff;
	v6 =	vadd.s32 v0, v6  }
0x4c: {  	s20 =	simm.s32 $0x5;
	v37 =	vmov s29;
	v23 =	vperm.xlane v20, v27;
	v22 =	vadd.s32 v0, v22  }
0x4d: {  	s31 =	simm.s32 $0x7;
	v35 =	vmov s20;
	v24 =	vperm.xlane v20, v10;
	v21 =	vadd.s32 v0, v21  }
0x4e: {  	v58 =	vmov s31;
	v25 =	vperm.xlane v20, v1;
	v23 =	vadd.s32 v0, v23  }
0x4f: {  	v38 =	vand.u32 $0xF8, v37;
	v20 =	vperm.xlane v20, v9;
	v24 =	vadd.s32 v0, v24;
	v19 =	vld.idx.msk [tilespmem:v19+s3+$0x0], $0xffff  }
0x50: {  	v37 =	vand.u32 $0x7, v37;
	v25 =	vadd.s32 v0, v25;
	v39 =	vmul.u32 $0x11, v18;
	v6 =	vld.idx.msk [tilespmem:v6+s3+$0x0], $0xffff  }
0x51: {  	v53 =	vand.u32 $0xF8, v35;
	v38 =	vadd.s32 v34, v38;
	v20 =	vadd.s32 v0, v20;
	v22 =	vld.idx.msk [tilespmem:v22+s3+$0x0], $0xffff  }
0x52: {  	vm11 =	vne.s32 v18, $0x0;
	v21 =	vld.idx.msk [tilespmem:v21+s3+$0x0], $0xffff;
	v18 =	vperm.xlane v39, v8;
	v40 =	vperm.xlane v39, v1  }
0x53: {  	v37 =	vor.u32 v37, v38;
	v23 =	vld.idx.msk [tilespmem:v23+s3+$0x0], $0xffff;
	v41 =	vperm.xlane v39, v27;
	v42 =	vperm.xlane v39, v9  }
0x54: {  	v24 =	vld.idx.msk [tilespmem:v24+s3+$0x0], $0xffff;
	v43 =	vperm.xlane v39, v10;
	v44 =	vperm.xlane v39, v7;
	v18 =	vadd.s32 v0, v18  }
0x55: {  	v25 =	vld.idx.msk [tilespmem:v25+s3+$0x0], $0xffff;
	v45 =	vperm.xlane v39, v28;
	v39 =	vperm.xlane v39, v29;
	v41 =	vadd.s32 v0, v41  }
0x56: {  	v60 =	vsel vm11, $0x1, v1;
	v20 =	vld.idx.msk [tilespmem:v20+s3+$0x0], $0xffff;
	v42 =	vadd.s32 v0, v42;
	v43 =	vadd.s32 v0, v43  }
0x57: {  	[tilespmem:s13+$0x0] =	vst.add.s32.msk $0xffff, v60;
	v61 =	vadd.s32 v0, v44;
	v62 =	vadd.s32 v0, v45;
	v63 =	vadd.s32 v0, v39  }
0x58: {  	v45 =	vadd.s32 v34, v53;
	v14 =	vadd.bf16 v19, v14;
	v19 =	vld.idx.msk [tilespmem:v37+s9+$0x0], $0xffff;
	v2 =	vadd.bf16 v21, v2  }
0x59: {  	s30 =	simm.s32 $0x4;
	s21 =	simm.s32 $0x6;
	v39 =	vand.u32 $0x5, v35;
	v6 =	vadd.bf16 v6, v16;
	v15 =	vadd.bf16 v23, v15;
	v18 =	vld.idx.msk [tilespmem:v18+s3+$0x0], $0xffff  }
0x5a: {  	v16 =	vadd.s32 v0, v40;
	v21 =	vmov s30;
	v40 =	vmov s21;
	v23 =	vld.idx.msk [tilespmem:v41+s3+$0x0], $0xffff  }
0x5b: {  	v11 =	vadd.bf16 v20, v11;
	v13 =	vadd.bf16 v25, v13;
	v52 =	vand.u32 $0xF8, v21;
	v43 =	vld.idx.msk [tilespmem:v43+s3+$0x0], $0xffff  }
0x5c: {  	v12 =	vadd.bf16 v22, v12;
	v21 =	vand.u32 $0x4, v21;
	v41 =	vadd.s32 v34, v52;
	v42 =	vld.idx.msk [tilespmem:v42+s3+$0x0], $0xffff  }
0x5d: {  	v22 =	vor.u32 v39, v45;
	v37 =	vld.idx.msk [tilespmem:v63+s3+$0x0], $0xffff;
	v21 =	vor.u32 v21, v41;
	v47 =	vmul.u32 $0x11, v19  }
0x5e: {  	v17 =	vadd.bf16 v24, v17;
	v24 =	vand.u32 $0xF8, v58;
	v46 =	vand.u32 $0xF8, v40;
	v54 =	vld.idx.msk [tilespmem:v62+s3+$0x0], $0xffff  }
0x5f: {  	v24 =	vadd.s32 v34, v24;
	v25 =	vld.idx.msk [tilespmem:v61+s3+$0x0], $0xffff;
	vm12 =	vne.s32 v19, $0x0;
	v55 =	vperm.xlane v47, v1  }
0x60: {  	v16 =	vld.idx.msk [tilespmem:v16+s3+$0x0], $0xffff;
	v20 =	vsel vm12, $0x1, v1;
	v56 =	vperm.xlane v47, v9;
	v57 =	vperm.xlane v47, v10  }
0x61: {  	v19 =	vadd.s32 v34, v46;
	[tilespmem:s13+$0x0] =	vst.add.s32.msk $0xffff, v20;
	v20 =	vperm.xlane v47, v7;
	v48 =	vperm.xlane v47, v27  }
0x62: {  	v49 =	vperm.xlane v47, v28;
	v15 =	vadd.bf16 v23, v15;
	v44 =	vadd.s32 v0, v55;
	v21 =	vld.idx.msk [tilespmem:v21+s9+$0x0], $0xffff  }
0x63: {  	v23 =	vperm.xlane v47, v8;
	v47 =	vperm.xlane v47, v29;
	v38 =	vadd.s32 v0, v56  }
0x64: {  	v6 =	vadd.bf16 v37, v6;
	v11 =	vadd.bf16 v42, v11;
	v49 =	vadd.s32 v0, v49  }
0x65: {  	v14 =	vadd.bf16 v54, v14;
	v12 =	vadd.bf16 v18, v12;
	v47 =	vadd.s32 v0, v47  }
0x66: {  	v37 =	vand.u32 $0x7, v58;
	v17 =	vadd.bf16 v43, v17;
	v48 =	vadd.s32 v0, v48  }
0x67: {  	v23 =	vadd.s32 v0, v23;
	v59 =	vld.idx.msk [tilespmem:v44+s3+$0x0], $0xffff;
	vm13 =	vne.s32 v21, $0x0;
	v21 =	vmul.u32 $0x11, v21  }
0x68: {  	v2 =	vadd.bf16 v25, v2;
	v46 =	vadd.s32 v0, v57;
	v13 =	vadd.bf16 v16, v13;
	v16 =	vld.idx.msk [tilespmem:v38+s3+$0x0], $0xffff  }
0x69: {  	v20 =	vadd.s32 v0, v20;
	v63 =	vld.idx.msk [tilespmem:v49+s3+$0x0], $0xffff;
	v61 =	vperm.xlane v21, v1;
	v62 =	vperm.xlane v21, v28  }
0x6a: {  	v24 =	vor.u32 v37, v24;
	v53 =	vld.idx.msk [tilespmem:v47+s3+$0x0], $0xffff;
	v35 =	vperm.xlane v21, v9;
	v52 =	vperm.xlane v21, v10  }
0x6b: {  	v58 =	vld.idx.msk [tilespmem:v48+s3+$0x0], $0xffff;
	v18 =	vsel vm13, $0x1, v1;
	v54 =	vperm.xlane v21, v7;
	v55 =	vperm.xlane v21, v29  }
0x6c: {  	v23 =	vld.idx.msk [tilespmem:v23+s3+$0x0], $0xffff;
	v56 =	vperm.xlane v21, v8;
	v21 =	vperm.xlane v21, v27;
	v57 =	vadd.s32 v0, v35  }
0x6d: {  	v60 =	vld.idx.msk [tilespmem:v46+s3+$0x0], $0xffff;
	v47 =	vadd.s32 v0, v54;
	v45 =	vadd.s32 v0, v52;
	v35 =	vadd.s32 v0, v55  }
0x6e: {  	v50 =	vadd.bf16 v59, v13;
	v13 =	vld.idx.msk [tilespmem:v20+s3+$0x0], $0xffff;
	v20 =	vadd.s32 v0, v61;
	v59 =	vadd.s32 v0, v62  }
0x6f: {  	v11 =	vadd.bf16 v16, v11;
	v16 =	vadd.s32 v0, v56;
	v6 =	vadd.bf16 v53, v6  }
0x70: {  	[tilespmem:s13+$0x0] =	vst.add.s32.msk $0xffff, v18;
	v18 =	vadd.s32 v0, v21;
	v14 =	vadd.bf16 v63, v14;
	v15 =	vadd.bf16 v58, v15  }
0x71: {  	v21 =	vld.idx.msk [tilespmem:v22+s9+$0x0], $0xffff;
	v12 =	vadd.bf16 v23, v12;
	v49 =	vshll.u32 v6, $0x10;
	v6 =	vand.u32 $0xFFFF0000, v6  }
0x72: {  	v61 =	vand.u32 $0x6, v40;
	v43 =	vadd.f32 v49, v36;
	v53 =	vld.idx.msk [tilespmem:v45+s3+$0x0], $0xffff;
	v45 =	vadd.f32 v6, v36  }
0x73: {  	v19 =	vor.u32 v61, v19;
	v52 =	vld.idx.msk [tilespmem:v57+s3+$0x0], $0xffff;
	v2 =	vadd.bf16 v13, v2;
	v13 =	vadd.bf16 v60, v17  }
0x74: {  	v17 =	vshll.u32 v11, $0x10;
	v51 =	vld.idx.msk [tilespmem:v20+s3+$0x0], $0xffff;
	v20 =	vshll.u32 v14, $0x10;
	v14 =	vand.u32 $0xFFFF0000, v14  }
0x75: {  	v54 =	vld.idx.msk [tilespmem:v18+s3+$0x0], $0xffff;
	v18 =	vshll.u32 v15, $0x10;
	v15 =	vand.u32 $0xFFFF0000, v15;
	v11 =	vand.u32 $0xFFFF0000, v11  }
0x76: {  	v25 =	vld.idx.msk [tilespmem:v47+s3+$0x0], $0xffff;
	v42 =	vadd.f32 v18, v36;
	v18 =	vmul.u32 $0x11, v21;
	v44 =	vadd.f32 v15, v36  }
0x77: {  	v60 =	vld.idx.msk [tilespmem:v35+s3+$0x0], $0xffff;
	vm14 =	vne.s32 v21, $0x0;
	v37 =	vadd.f32 v20, v36;
	v38 =	vadd.f32 v14, v36  }
0x78: {  	v56 =	vld.idx.msk [tilespmem:v59+s3+$0x0], $0xffff;
	v47 =	vadd.f32 v17, v36;
	v49 =	vadd.f32 v11, v36;
	v22 =	vand.u32 $0xFFFF0000, v2  }
0x79: {  	v55 =	vld.idx.msk [tilespmem:v16+s3+$0x0], $0xffff;
	v2 =	vshll.u32 v2, $0x10;
	v6 =	vsel vm14, $0x1, v1;
	v16 =	vperm.xlane v18, v28  }
0x7a: {  	v21 =	vand.u32 $0xFFFF0000, v13;
	v41 =	vadd.f32 v22, v36;
	[tilespmem:s13+$0x0] =	vst.add.s32.msk $0xffff, v6;
	v6 =	vperm.xlane v18, v29  }
0x7b: {  	v15 =	vperm.xlane v18, v9;
	v20 =	vperm.xlane v18, v7;
	v19 =	vld.idx.msk [tilespmem:v19+s9+$0x0], $0xffff;
	v16 =	vadd.s32 v0, v16  }
0x7c: {  	v14 =	vperm.xlane v18, v10;
	v62 =	vperm.xlane v18, v8;
	v6 =	vadd.s32 v0, v6  }
0x7d: {  	v22 =	vperm.xlane v18, v1;
	v18 =	vperm.xlane v18, v27;
	v20 =	vadd.s32 v0, v20  }
0x7e: {  	v13 =	vshll.u32 v13, $0x10;
	v40 =	vadd.f32 v21, v36;
	v63 =	vadd.s32 v0, v62  }
0x7f: {  	v46 =	vadd.f32 v13, v36;
	v39 =	vadd.f32 v2, v36;
	v18 =	vadd.s32 v0, v18  }
0x80: {  	v14 =	vadd.s32 v0, v14;
	vm15 =	vne.s32 v19, $0x0;
	v13 =	vmul.u32 $0x11, v19;
	v2 =	vld.idx.msk [tilespmem:v16+s3+$0x0], $0xffff  }
0x81: {  	v15 =	vadd.s32 v0, v15;
	v22 =	vadd.s32 v0, v22;
	v17 =	vsel vm15, $0x1, v1;
	v6 =	vld.idx.msk [tilespmem:v6+s3+$0x0], $0xffff  }
0x82: {  	v21 =	vld.idx.msk [tilespmem:v20+s3+$0x0], $0xffff;
	v20 =	vshll.u32 v12, $0x10;
	v23 =	vperm.xlane v13, v1;
	v16 =	vperm.xlane v13, v8  }
0x83: {  	v57 =	vld.idx.msk [tilespmem:v63+s3+$0x0], $0xffff;
	v12 =	vand.u32 $0xFFFF0000, v12;
	v11 =	vperm.xlane v13, v9;
	v19 =	vperm.xlane v13, v10  }
0x84: {  	v62 =	vld.idx.msk [tilespmem:v18+s3+$0x0], $0xffff;
	v59 =	vperm.xlane v13, v7;
	v61 =	vperm.xlane v13, v27;
	v48 =	vadd.f32 v20, v36  }
0x85: {  	v58 =	vld.idx.msk [tilespmem:v14+s3+$0x0], $0xffff;
	v14 =	vperm.xlane v13, v28;
	v20 =	vperm.xlane v13, v29;
	v63 =	vadd.s32 v0, v16  }
0x86: {  	v13 =	vld.idx.msk [tilespmem:v22+s3+$0x0], $0xffff;
	v18 =	vadd.s32 v0, v11;
	v16 =	vadd.s32 v0, v59;
	v22 =	vadd.s32 v0, v61  }
0x87: {  	v15 =	vld.idx.msk [tilespmem:v15+s3+$0x0], $0xffff;
	v61 =	vadd.s32 v0, v19;
	v59 =	vadd.s32 v0, v14;
	v19 =	vadd.s32 v0, v20  }
0x88: {  	[tilespmem:s13+$0x0] =	vst.add.s32.msk $0xffff, v17;
	v20 =	vshll.u32 v50, $0x10;
	v2 =	vadd.bf16 v2, v56;
	v56 =	vadd.bf16 v21, v25  }
0x89: {  	v14 =	vadd.bf16 v6, v60;
	v21 =	vld.idx.msk [tilespmem:v24+s9+$0x0], $0xffff;
	v6 =	vand.u32 $0xFFFF0000, v50;
	v17 =	vadd.bf16 v62, v54  }
0x8a: {  	s16 =	sadd.s32 $0x1, s16;
	s19 =	simm.s32 $0xB;
	v60 =	vadd.s32 v0, v23;
	v54 =	vimm.f32 $0.0e+00;
	v50 =	vadd.f32 v6, v36;
	v11 =	vld.idx.msk [tilespmem:v63+s3+$0x0], $0xffff  }
.LBB2_7:
0x8b: {  	s20 =	sadd.s32 $0xFFFFFFFD, s19;
	s21 =	sadd.s32 $0xFFFFFFFE, s19;
	s22 =	sadd.s32 $0xFFFFFFFF, s19;
	v6 =	vld.idx.msk [tilespmem:v22+s3+$0x0], $0xffff;
	v36 =	vadd.f32 v20, v36;
	v54 =	vadd.f32 v12, v54  }
0x8c: {  	p0 =	sne.s32 s19, $0xC7;
	v20 =	vmov s20;
	v22 =	vmov s21;
	v12 =	vmov s22;
	v23 =	vld.idx.msk [tilespmem:v61+s3+$0x0], $0xffff;
	s20 =	smov.u32 s19;
	s19 =	sadd.s32 $0x4, s19  }
0x8d: {  	v24 =	vand.u32 $0xF8, v20;
	v20 =	vand.u32 $0x4, v20;
	v25 =	vand.u32 $0xF8, v22;
	v18 =	vld.idx.msk [tilespmem:v18+s3+$0x0], $0xffff  }
0x8e: {  	v61 =	vand.u32 $0xF8, v12;
	v24 =	vadd.s32 v34, v24;
	v25 =	vadd.s32 v34, v25;
	v19 =	vld.idx.msk [tilespmem:v19+s3+$0x0], $0xffff  }
0x8f: {  	vm0 =	vne.s32 v21, $0x0;
	v21 =	vmul.u32 $0x11, v21;
	v20 =	vor.u32 v20, v24;
	v24 =	vld.idx.msk [tilespmem:v59+s3+$0x0], $0xffff  }
0x90: {  	v15 =	vadd.bf16 v15, v52;
	v59 =	vadd.s32 v34, v61;
	v52 =	vld.idx.msk [tilespmem:v60+s3+$0x0], $0xffff;
	v60 =	vsel vm0, $0x1, v1  }
0x91: {  	v6 =	vadd.bf16 v6, v17;
	v17 =	vperm.xlane v21, v1;
	v61 =	vperm.xlane v21, v8  }
0x92: {  	v13 =	vadd.bf16 v13, v51;
	v51 =	vperm.xlane v21, v9;
	v62 =	vperm.xlane v21, v10;
	v16 =	vld.idx.msk [tilespmem:v16+s3+$0x0], $0xffff  }
0x93: {  	v63 =	vperm.xlane v21, v27;
	v17 =	vadd.s32 v0, v17;
	[tilespmem:s13+$0x0] =	vst.add.s32.msk $0xffff, v60;
	v60 =	vperm.xlane v21, v7  }
0x94: {  	v35 =	vperm.xlane v21, v28;
	v61 =	vadd.s32 v0, v61;
	v21 =	vperm.xlane v21, v29;
	v20 =	vld.idx.msk [tilespmem:v20+s9+$0x0], $0xffff  }
0x95: {  	v51 =	vadd.s32 v0, v51;
	v63 =	vadd.s32 v0, v63;
	v60 =	vadd.s32 v0, v60  }
0x96: {  	v62 =	vadd.s32 v0, v62;
	v35 =	vadd.s32 v0, v35;
	v21 =	vadd.s32 v0, v21  }
0x97: {  	v55 =	vadd.bf16 v57, v55;
	v22 =	vand.u32 $0x5, v22;
	v14 =	vadd.bf16 v19, v14  }
0x98: {  	v15 =	vadd.bf16 v18, v15;
	v19 =	vor.u32 v22, v25;
	v2 =	vadd.bf16 v24, v2;
	v17 =	vld.idx.msk [tilespmem:v17+s3+$0x0], $0xffff  }
0x99: {  	v18 =	vmov s20;
	v22 =	vadd.bf16 v58, v53;
	v24 =	vadd.bf16 v11, v55;
	v25 =	vld.idx.msk [tilespmem:v61+s3+$0x0], $0xffff  }
0x9a: {  	v11 =	vadd.bf16 v52, v13;
	vm0 =	vne.s32 v20, $0x0;
	v20 =	vmul.u32 $0x11, v20;
	v13 =	vld.idx.msk [tilespmem:v51+s3+$0x0], $0xffff  }
0x9b: {  	v52 =	vand.u32 $0xF8, v18;
	v18 =	vand.u32 $0x7, v18;
	v51 =	vsel vm0, $0x1, v1;
	v53 =	vld.idx.msk [tilespmem:v62+s3+$0x0], $0xffff  }
0x9c: {  	v22 =	vadd.bf16 v23, v22;
	v55 =	vperm.xlane v20, v1;
	v57 =	vperm.xlane v20, v28;
	v23 =	vld.idx.msk [tilespmem:v35+s3+$0x0], $0xffff  }
0x9d: {  	v52 =	vadd.s32 v34, v52;
	v58 =	vperm.xlane v20, v10;
	v35 =	vperm.xlane v20, v9;
	v21 =	vld.idx.msk [tilespmem:v21+s3+$0x0], $0xffff  }
0x9e: {  	v61 =	vperm.xlane v20, v7;
	v62 =	vperm.xlane v20, v29;
	v11 =	vadd.bf16 v17, v11;
	v17 =	vld.idx.msk [tilespmem:v60+s3+$0x0], $0xffff  }
0x9f: {  	v55 =	vadd.s32 v0, v55;
	v60 =	vperm.xlane v20, v8;
	v35 =	vadd.s32 v0, v35;
	v63 =	vld.idx.msk [tilespmem:v63+s3+$0x0], $0xffff  }
0xa0: {  	v61 =	vadd.s32 v0, v61;
	v57 =	vadd.s32 v0, v57;
	v20 =	vperm.xlane v20, v27  }
0xa1: {  	v58 =	vadd.s32 v0, v58;
	v62 =	vadd.s32 v0, v62;
	v13 =	vadd.bf16 v13, v15  }
0xa2: {  	v16 =	vadd.bf16 v16, v56;
	v15 =	vadd.s32 v0, v60;
	v20 =	vadd.s32 v0, v20;
	[tilespmem:s13+$0x0] =	vst.add.s32.msk $0xffff, v51  }
0xa3: {  	v60 =	vor.u32 v18, v52;
	v2 =	vadd.bf16 v23, v2;
	v14 =	vadd.bf16 v21, v14;
	v19 =	vld.idx.msk [tilespmem:v19+s9+$0x0], $0xffff  }
0xa4: {  	v18 =	vadd.bf16 v53, v22;
	v16 =	vadd.bf16 v17, v16;
	v17 =	vshll.u32 v13, $0x10;
	v52 =	vld.idx.msk [tilespmem:v35+s3+$0x0], $0xffff  }
0xa5: {  	v21 =	vshll.u32 v2, $0x10;
	v2 =	vand.u32 $0xFFFF0000, v2;
	v6 =	vadd.bf16 v63, v6;
	v51 =	vld.idx.msk [tilespmem:v55+s3+$0x0], $0xffff  }
0xa6: {  	v35 =	vshll.u32 v14, $0x10;
	v14 =	vand.u32 $0xFFFF0000, v14;
	v22 =	vand.u32 $0xFFFF0000, v16;
	v23 =	vld.idx.msk [tilespmem:v61+s3+$0x0], $0xffff  }
0xa7: {  	v12 =	vand.u32 $0x6, v12;
	v16 =	vshll.u32 v16, $0x10;
	v63 =	vld.idx.msk [tilespmem:v20+s3+$0x0], $0xffff;
	v20 =	vshll.u32 v6, $0x10  }
0xa8: {  	v12 =	vor.u32 v12, v59;
	v41 =	vadd.f32 v22, v41;
	v62 =	vld.idx.msk [tilespmem:v62+s3+$0x0], $0xffff;
	v42 =	vadd.f32 v20, v42  }
0xa9: {  	v43 =	vadd.f32 v35, v43;
	v6 =	vand.u32 $0xFFFF0000, v6;
	v22 =	vmul.u32 $0x11, v19;
	v20 =	vld.idx.msk [tilespmem:v57+s3+$0x0], $0xffff  }
0xaa: {  	v45 =	vadd.f32 v14, v45;
	vm0 =	vne.s32 v19, $0x0;
	v44 =	vadd.f32 v6, v44;
	v53 =	vld.idx.msk [tilespmem:v58+s3+$0x0], $0xffff  }
0xab: {  	v37 =	vadd.f32 v21, v37;
	v6 =	vsel vm0, $0x1, v1;
	v14 =	vperm.xlane v22, v9;
	v55 =	vld.idx.msk [tilespmem:v15+s3+$0x0], $0xffff  }
0xac: {  	v38 =	vadd.f32 v2, v38;
	v15 =	vperm.xlane v22, v29;
	[tilespmem:s13+$0x0] =	vst.add.s32.msk $0xffff, v6;
	v6 =	vperm.xlane v22, v28  }
0xad: {  	v21 =	vand.u32 $0xFFFF0000, v18;
	v2 =	vperm.xlane v22, v10;
	v19 =	vperm.xlane v22, v7;
	v12 =	vld.idx.msk [tilespmem:v12+s9+$0x0], $0xffff  }
0xae: {  	v35 =	vperm.xlane v22, v1;
	v56 =	vperm.xlane v22, v8;
	v6 =	vadd.s32 v0, v6  }
0xaf: {  	v14 =	vadd.s32 v0, v14;
	v2 =	vadd.s32 v0, v2;
	v15 =	vadd.s32 v0, v15  }
0xb0: {  	v35 =	vadd.s32 v0, v35;
	v56 =	vadd.s32 v0, v56;
	v22 =	vperm.xlane v22, v27  }
0xb1: {  	v18 =	vshll.u32 v18, $0x10;
	v40 =	vadd.f32 v21, v40;
	v19 =	vadd.s32 v0, v19  }
0xb2: {  	v46 =	vadd.f32 v18, v46;
	v39 =	vadd.f32 v16, v39;
	v21 =	vadd.s32 v0, v22  }
0xb3: {  	v47 =	vadd.f32 v17, v47;
	vm0 =	vne.s32 v12, $0x0;
	v12 =	vmul.u32 $0x11, v12;
	v6 =	vld.idx.msk [tilespmem:v6+s3+$0x0], $0xffff  }
0xb4: {  	v24 =	vadd.bf16 v25, v24;
	v13 =	vand.u32 $0xFFFF0000, v13;
	v3 =	vsel vm0, $0x1, v1;
	v17 =	vld.idx.msk [tilespmem:v15+s3+$0x0], $0xffff  }
0xb5: {  	v49 =	vadd.f32 v13, v49;
	v25 =	vperm.xlane v12, v1;
	v15 =	vperm.xlane v12, v8;
	v57 =	vld.idx.msk [tilespmem:v56+s3+$0x0], $0xffff  }
0xb6: {  	v13 =	vshll.u32 v24, $0x10;
	v16 =	vperm.xlane v12, v9;
	v56 =	vld.idx.msk [tilespmem:v19+s3+$0x0], $0xffff;
	v19 =	vperm.xlane v12, v10  }
0xb7: {  	v48 =	vadd.f32 v13, v48;
	v22 =	vperm.xlane v12, v27;
	v4 =	vld.idx.msk [tilespmem:v21+s3+$0x0], $0xffff;
	v21 =	vperm.xlane v12, v7  }
0xb8: {  	v5 =	vadd.s32 v0, v15;
	v58 =	vld.idx.msk [tilespmem:v2+s3+$0x0], $0xffff;
	v2 =	vperm.xlane v12, v28;
	v12 =	vperm.xlane v12, v29  }
.Ltmp3:
0xb9: {  	v18 =	vadd.s32 v0, v16;
	v22 =	vadd.s32 v0, v22;
	v13 =	vld.idx.msk [tilespmem:v35+s3+$0x0], $0xffff;
	v16 =	vadd.s32 v0, v21;
	(pc) =	sbr.rel @p0 .LBB2_7-.Ltmp3, $4  }
0xba: {  	v61 =	vadd.s32 v0, v19;
	v15 =	vld.idx.msk [tilespmem:v14+s3+$0x0], $0xffff;
	v59 =	vadd.s32 v0, v2;
	v19 =	vadd.s32 v0, v12  }
0xbb: {  	v2 =	vadd.bf16 v6, v20;
	v20 =	vshll.u32 v11, $0x10;
	v12 =	vand.u32 $0xFFFF0000, v24;
	[tilespmem:s13+$0x0] =	vst.add.s32.msk $0xffff, v3  }
0xbc: {  	v14 =	vadd.bf16 v17, v62;
	v56 =	vadd.bf16 v56, v23;
	v3 =	vand.u32 $0xFFFF0000, v11;
	v21 =	vld.idx.msk [tilespmem:v60+s9+$0x0], $0xffff  }
0xbd: {  	v17 =	vadd.bf16 v4, v63;
	v60 =	vadd.s32 v0, v25;
	v50 =	vadd.f32 v3, v50;
	v11 =	vld.idx.msk [tilespmem:v5+s3+$0x0], $0xffff  }
0xbe: {  	_ =	sdelay $0x3  }
0xbf: {  	v4 =	vld.idx.msk [tilespmem:v22+s3+$0x0], $0xffff  }
0xc0: {  	v5 =	vld.idx.msk [tilespmem:v61+s3+$0x0], $0xffff;
	v3 =	vmul.u32 $0x11, v21  }
0xc1: {  	v18 =	vld.idx.msk [tilespmem:v18+s3+$0x0], $0xffff  }
0xc2: {  	v19 =	vld.idx.msk [tilespmem:v19+s3+$0x0], $0xffff;
	v6 =	vperm.xlane v3, v1  }
0xc3: {  	v23 =	vld.idx.msk [tilespmem:v59+s3+$0x0], $0xffff  }
0xc4: {  	v16 =	vld.idx.msk [tilespmem:v16+s3+$0x0], $0xffff;
	vm0 =	vne.s32 v21, $0x0;
	v6 =	vadd.s32 v0, v6  }
0xc5: {  	v21 =	vld.idx.msk [tilespmem:v60+s3+$0x0], $0xffff;
	v35 =	vsel vm0, $0x1, v1;
	v60 =	vperm.xlane v3, v28  }
0xc6: {  	[tilespmem:s13+$0x0] =	vst.add.s32.msk $0xffff, v35  }
0xc7: {  	v20 =	vadd.f32 v20, v36;
	v36 =	vadd.s32 v0, v60;
	v60 =	vld [tilespmem:$0x5F80];
	_ =	sdelay $0x1  }
0xc8: {  	v6 =	vld.idx.msk [tilespmem:v6+s3+$0x0], $0xffff  }
0xc9: {  	v13 =	vadd.bf16 v13, v51;
	v22 =	vperm.xlane v3, v9  }
0xca: {  	v24 =	vperm.xlane v3, v10;
	v25 =	vperm.xlane v3, v29  }
0xcb: {  	v2 =	vadd.bf16 v23, v2;
	v13 =	vadd.bf16 v21, v13;
	v23 =	vcvt.s32.f32 v60  }
0xcc: {  	v59 =	vperm.xlane v3, v7;
	v35 =	vperm.xlane v3, v27;
	v22 =	vadd.s32 v0, v22  }
0xcd: {  	v6 =	vadd.bf16 v6, v13;
	v13 =	vadd.bf16 v16, v56;
	v16 =	vmax.f32 v23, $1.000000000e+00  }
0xce: {  	v3 =	vperm.xlane v3, v8;
	v24 =	vadd.s32 v0, v24;
	(erf) = vrcp.f32 v16  }
0xcf: {  	v25 =	vadd.s32 v0, v25  }
0xd0: {  	v3 =	vadd.s32 v0, v3;
	_ =	sdelay $0x1  }
0xd1: {  	v22 =	vld.idx.msk [tilespmem:v22+s3+$0x0], $0xffff  }
0xd2: {  	v15 =	vadd.bf16 v15, v52;
	v24 =	vld.idx.msk [tilespmem:v24+s3+$0x0], $0xffff  }
0xd3: {  	v4 =	vadd.bf16 v4, v17;
	v17 =	vld.idx.msk [tilespmem:v25+s3+$0x0], $0xffff  }
0xd4: {  	v15 =	vadd.bf16 v18, v15;
	v18 =	vadd.bf16 v58, v53;
	v3 =	vld.idx.msk [tilespmem:v3+s3+$0x0], $0xffff  }
0xd5: {  	v25 =	vadd.bf16 v57, v55;
	v21 =	vld.idx.msk [tilespmem:v36+s3+$0x0], $0xffff  }
0xd6: {  	v5 =	vadd.bf16 v5, v18;
	v52 =	vpop (erf)  }
0xd7: {  	v12 =	vadd.f32 v12, v54;
	v11 =	vadd.bf16 v11, v25;
	v53 =	vperm.xlane v52, v8;
	v8 =	vld [tilespmem:$0x1FF20]  }
0xd8: {  	v32 =	vshll.u32 v32, $0x9;
	v59 =	vadd.s32 v0, v59;
	v5 =	vadd.bf16 v24, v5  }
0xd9: {  	v35 =	vadd.s32 v0, v35;
	v15 =	vadd.bf16 v22, v15;
	v3 =	vadd.bf16 v3, v11  }
0xda: {  	v2 =	vadd.bf16 v21, v2;
	v23 =	vor.u32 v26, v32;
	v21 =	vshll.u32 v5, $0x10  }
0xdb: {  	v11 =	vadd.f32 v21, v46;
	v21 =	vshll.u32 v3, $0x10;
	v3 =	vand.u32 $0xFFFF0000, v3  }
0xdc: {  	v22 =	vshll.u32 v6, $0x10;
	v3 =	vadd.f32 v3, v12;
	v12 =	vor.u32 v8, v32;
	v8 =	vld [tilespmem:$0x1FF30]  }
0xdd: {  	v14 =	vadd.bf16 v19, v14;
	v19 =	vld.idx.msk [tilespmem:v59+s3+$0x0], $0xffff;
	v20 =	vadd.f32 v22, v20;
	v22 =	vperm.xlane v52, v1  }
0xde: {  	v35 =	vld.idx.msk [tilespmem:v35+s3+$0x0], $0xffff  }
0xdf: {  	v25 =	vld [tilespmem:$0x1FF10];
	v21 =	vadd.f32 v21, v48;
	v20 =	vmul.f32 v22, v20  }
0xe0: {  	v24 =	vld [tilespmem:$0x1FF00]  }
0xe1: {  	[tilespmem:v23+s14+$0x0] =	vst.idx.msk $0xffff, v20;
	v20 =	vmul.f32 v53, v21;
	v21 =	vor.u32 v8, v32;
	v8 =	vld [tilespmem:$0x1FF40];
	_ =	sdelay $0x1  }
0xe2: {  	v6 =	vand.u32 $0xFFFF0000, v6  }
0xe3: {  	v6 =	vadd.f32 v6, v50  }
0xe4: {  	v24 =	vor.u32 v24, v32  }
0xe5: {  	v25 =	vor.u32 v25, v32;
	v6 =	vmul.f32 v22, v6;
	v22 =	vor.u32 v8, v32;
	v8 =	vld [tilespmem:$0x1FF50];
	_ =	sdelay $0x1  }
0xe6: {  	v16 =	vshll.u32 v15, $0x10  }
0xe7: {  	v15 =	vand.u32 $0xFFFF0000, v15;
	v16 =	vadd.f32 v16, v47  }
0xe8: {  	v15 =	vadd.f32 v15, v49;
	[tilespmem:v24+s14+$0x0] =	vst.idx.msk $0xffff, v6;
	v6 =	vperm.xlane v52, v9  }
0xe9: {  	v3 =	vmul.f32 v53, v3;
	[tilespmem:v25+s14+$0x0] =	vst.idx.msk $0xffff, v20;
	v20 =	vor.u32 v8, v32  }
0xea: {  	v23 =	vperm.xlane v52, v10;
	v16 =	vmul.f32 v6, v16  }
0xeb: {  	[tilespmem:v12+s14+$0x0] =	vst.idx.msk $0xffff, v3;
	v3 =	vmul.f32 v6, v15  }
0xec: {  	v11 =	vmul.f32 v23, v11;
	[tilespmem:v21+s14+$0x0] =	vst.idx.msk $0xffff, v16  }
0xed: {  	[tilespmem:v22+s14+$0x0] =	vst.idx.msk $0xffff, v3  }
0xee: {  	[tilespmem:v20+s14+$0x0] =	vst.idx.msk $0xffff, v11;
	v11 =	vperm.xlane v52, v7;
	v7 =	vld [tilespmem:$0x1FF80];
	_ =	sdelay $0x2  }
0xef: {  	v13 =	vadd.bf16 v19, v13  }
0xf0: {  	v14 =	vadd.bf16 v17, v14;
	v5 =	vand.u32 $0xFFFF0000, v5;
	v8 =	vld [tilespmem:$0x1FF60]  }
0xf1: {  	v17 =	vand.u32 $0xFFFF0000, v13;
	v12 =	vshll.u32 v13, $0x10;
	v13 =	vor.u32 v7, v32;
	v7 =	vld [tilespmem:$0x1FF90]  }
0xf2: {  	v5 =	vadd.f32 v5, v40;
	_ =	sdelay $0x1  }
0xf3: {  	v17 =	vadd.f32 v17, v41;
	v3 =	vmul.f32 v23, v5;
	v5 =	vadd.f32 v12, v39  }
0xf4: {  	v4 =	vadd.bf16 v35, v4;
	v24 =	vor.u32 v8, v32  }
0xf5: {  	v5 =	vmul.f32 v11, v5;
	v11 =	vmul.f32 v11, v17;
	v17 =	vor.u32 v7, v32;
	v7 =	vld [tilespmem:$0x1FFA0];
	_ =	sdelay $0x1  }
0xf6: {  	v19 =	vshll.u32 v4, $0x10;
	v4 =	vand.u32 $0xFFFF0000, v4  }
0xf7: {  	v19 =	vadd.f32 v19, v42;
	v4 =	vadd.f32 v4, v44;
	v12 =	vperm.xlane v52, v27  }
0xf8: {  	[tilespmem:v24+s14+$0x0] =	vst.idx.msk $0xffff, v3;
	v3 =	vld [tilespmem:$0x1FF70]  }
0xf9: {  	v16 =	vmul.f32 v12, v19;
	v4 =	vmul.f32 v12, v4;
	v12 =	vor.u32 v7, v32;
	v7 =	vld [tilespmem:$0x1FFB0];
	_ =	sdelay $0x3  }
0xfa: {  	v3 =	vor.u32 v3, v32  }
0xfb: {  	v19 =	vor.u32 v7, v32;
	v7 =	vld [tilespmem:$0x1FFC0];
	_ =	sdelay $0x1  }
0xfc: {  	v25 =	vshll.u32 v2, $0x10;
	v2 =	vand.u32 $0xFFFF0000, v2  }
0xfd: {  	v2 =	vadd.f32 v2, v38;
	v6 =	vadd.f32 v25, v37;
	v15 =	vperm.xlane v52, v28  }
0xfe: {  	[tilespmem:v3+s14+$0x0] =	vst.idx.msk $0xffff, v5;
	v5 =	vld [tilespmem:$0x1FFD0]  }
0xff: {  	v6 =	vmul.f32 v15, v6;
	v2 =	vmul.f32 v15, v2;
	v15 =	vor.u32 v7, v32;
	v7 =	vld [tilespmem:$0x1FFE0]  }
0x100: {  	s19 =	simm.s32 $0x0  }
0x101: {  	v18 =	vshll.u32 v14, $0x10;
	v14 =	vand.u32 $0xFFFF0000, v14;
	v20 =	vmov s19  }
0x102: {  	v18 =	vadd.f32 v18, v43;
	v14 =	vadd.f32 v14, v45;
	v21 =	vand.u32 $0xF8, v20  }
0x103: {  	s20 =	simm.s32 $0x1;
	v20 =	vand.u32 $0x4, v20;
	v3 =	vperm.xlane v52, v29;
	[tilespmem:v13+s14+$0x0] =	vst.idx.msk $0xffff, v11;
	v5 =	vor.u32 v5, v32  }
0x104: {  	v13 =	vmov s20;
	[tilespmem:v17+s14+$0x0] =	vst.idx.msk $0xffff, v16;
	v17 =	vadd.s32 v34, v21;
	v11 =	vor.u32 v7, v32  }
0x105: {  	v16 =	vand.u32 $0xF8, v13;
	[tilespmem:v12+s14+$0x0] =	vst.idx.msk $0xffff, v4;
	v4 =	vand.u32 $0x5, v13;
	v13 =	vor.u32 v20, v17  }
0x106: {  	[tilespmem:v19+s14+$0x0] =	vst.idx.msk $0xffff, v6;
	v6 =	vmul.f32 v3, v18  }
0x107: {  	s25 =	simm.s32 $0x3;
	[tilespmem:v15+s14+$0x0] =	vst.idx.msk $0xffff, v2;
	v2 =	vmul.f32 v3, v14  }
0x108: {  	v12 =	vadd.s32 v34, v16;
	v3 =	vmov s25;
	[tilespmem:v5+s14+$0x0] =	vst.idx.msk $0xffff, v6  }
0x109: {  	v4 =	vor.u32 v4, v12;
	v5 =	vand.u32 $0xF8, v3;
	[tilespmem:v11+s14+$0x0] =	vst.idx.msk $0xffff, v2  }
0x10a: {  	v2 =	vand.u32 $0x7, v3;
	v3 =	vadd.s32 v34, v5;
	v5 =	vld.idx.msk [tilespmem:v13+s9+$0x0], $0xffff;
	_ =	sdelay $0x2  }
0x10b: {  	s26 =	simm.s32 $0x2  }
0x10c: {  	v2 =	vor.u32 v2, v3;
	v3 =	vld.idx.msk [tilespmem:v4+s9+$0x0], $0xffff;
	v4 =	vmov s26  }
0x10d: {  	v6 =	vand.u32 $0xF8, v4;
	v5 =	vmul.u32 $0x11, v5  }
0x10e: {  	v4 =	vand.u32 $0x6, v4;
	v6 =	vadd.s32 v34, v6  }
0x10f: {  	v28 =	vimm.s32 $0xA;
	v4 =	vor.u32 v4, v6;
	v6 =	vperm.xlane v5, v30  }
0x110: {  	v1 =	vimm.s32 $0xF;
	v29 =	vimm.s32 $0x8;
	v12 =	vperm.xlane v5, v28  }
0x111: {  	v3 =	vmul.u32 $0x11, v3;
	v11 =	vperm.xlane v5, v31;
	v6 =	vadd.s32 v0, v6  }
0x112: {  	v37 =	vimm.f32 $0.0e+00;
	v14 =	vperm.xlane v5, v29;
	v12 =	vadd.s32 v0, v12  }
0x113: {  	v27 =	vimm.s32 $0x9;
	v21 =	vperm.xlane v3, v33;
	v11 =	vadd.s32 v0, v11  }
0x114: {  	[tilespmem:$0x1FEE0] =	vst v32;
	v32 =	vimm.s32 $0xD;
	v2 =	vld.idx.msk [tilespmem:v2+s9+$0x0], $0xffff;
	v16 =	vperm.xlane v3, v28;
	v14 =	vadd.s32 v0, v14  }
0x115: {  	v30 =	vimm.s32 $0xB;
	v24 =	vperm.xlane v3, v31;
	v4 =	vld.idx.msk [tilespmem:v4+s9+$0x0], $0xffff;
	v21 =	vadd.s32 v0, v21  }
0x116: {  	v18 =	vperm.xlane v3, v27;
	v25 =	vperm.xlane v3, v32;
	v16 =	vadd.s32 v0, v16;
	v6 =	vld.idx.msk [tilespmem:v6+s3+$0x0], $0xffff  }
0x117: {  	v22 =	vperm.xlane v5, v27;
	v54 =	vperm.xlane v5, v33;
	v24 =	vadd.s32 v0, v24;
	v12 =	vld.idx.msk [tilespmem:v12+s3+$0x0], $0xffff  }
0x118: {  	v59 =	vperm.xlane v3, v29;
	v13 =	vperm.xlane v3, v30;
	v25 =	vadd.s32 v0, v25;
	v11 =	vld.idx.msk [tilespmem:v11+s3+$0x0], $0xffff  }
0x119: {  	v15 =	vperm.xlane v5, v30;
	v36 =	vadd.s32 v0, v54;
	v17 =	vmul.u32 $0x11, v2;
	v14 =	vld.idx.msk [tilespmem:v14+s3+$0x0], $0xffff  }
0x11a: {  	v22 =	vadd.s32 v0, v22;
	v18 =	vadd.s32 v0, v18;
	v13 =	vadd.s32 v0, v13;
	v21 =	vld.idx.msk [tilespmem:v21+s3+$0x0], $0xffff  }
0x11b: {  	v15 =	vadd.s32 v0, v15;
	v2 =	vperm.xlane v17, v31;
	v57 =	vperm.xlane v17, v30;
	v16 =	vld.idx.msk [tilespmem:v16+s3+$0x0], $0xffff  }
0x11c: {  	v19 =	vperm.xlane v17, v29;
	v20 =	vperm.xlane v17, v27;
	v4 =	vmul.u32 $0x11, v4;
	v24 =	vld.idx.msk [tilespmem:v24+s3+$0x0], $0xffff  }
0x11d: {  	v23 =	vperm.xlane v17, v28;
	v55 =	vperm.xlane v17, v32;
	v40 =	vadd.s32 v0, v57;
	v25 =	vld.idx.msk [tilespmem:v25+s3+$0x0], $0xffff  }
0x11e: {  	v41 =	vadd.s32 v0, v59;
	v62 =	vperm.xlane v17, v1;
	v36 =	vld.idx.msk [tilespmem:v36+s3+$0x0], $0xffff;
	v56 =	vperm.xlane v4, v31  }
0x11f: {  	v2 =	vadd.s32 v0, v2;
	v19 =	vadd.s32 v0, v19;
	v22 =	vld.idx.msk [tilespmem:v22+s3+$0x0], $0xffff;
	v58 =	vperm.xlane v4, v33  }
0x120: {  	v20 =	vadd.s32 v0, v20;
	v13 =	vld.idx.msk [tilespmem:v13+s3+$0x0], $0xffff;
	v60 =	vperm.xlane v4, v30;
	v39 =	vadd.s32 v0, v56  }
0x121: {  	[tilespmem:$0x1FED0] =	vst v52;
	v15 =	vld.idx.msk [tilespmem:v15+s3+$0x0], $0xffff;
	v31 =	vimm.s32 $0xC;
	v35 =	vperm.xlane v4, v28;
	v38 =	vadd.s32 v0, v58  }
0x122: {  	v5 =	vperm.xlane v5, v31;
	v3 =	vperm.xlane v3, v31;
	v42 =	vadd.s32 v0, v60;
	v40 =	vld.idx.msk [tilespmem:v40+s3+$0x0], $0xffff  }
0x123: {  	v52 =	vadd.s32 v0, v35;
	v12 =	vadd.bf16 v16, v12;
	v16 =	vadd.bf16 v24, v11;
	v24 =	vld.idx.msk [tilespmem:v41+s3+$0x0], $0xffff  }
0x124: {  	v23 =	vadd.s32 v0, v23;
	v50 =	vadd.s32 v0, v55;
	v5 =	vadd.s32 v0, v5;
	v19 =	vld.idx.msk [tilespmem:v19+s3+$0x0], $0xffff  }
0x125: {  	v44 =	vadd.s32 v0, v62;
	v61 =	vperm.xlane v4, v31;
	v3 =	vadd.s32 v0, v3;
	v39 =	vld.idx.msk [tilespmem:v39+s3+$0x0], $0xffff  }
0x126: {  	v63 =	vperm.xlane v4, v32;
	v15 =	vadd.bf16 v13, v15;
	v13 =	vperm.xlane v4, v29;
	v38 =	vld.idx.msk [tilespmem:v38+s3+$0x0], $0xffff  }
0x127: {  	s31 =	simm.s32 $0x7;
	v33 =	vimm.s32 $0xE;
	v17 =	vperm.xlane v17, v31;
	v43 =	vadd.s32 v0, v61;
	v42 =	vld.idx.msk [tilespmem:v42+s3+$0x0], $0xffff  }
0x128: {  	v48 =	vadd.s32 v0, v63;
	v58 =	vmov s31;
	v13 =	vadd.s32 v0, v13;
	v59 =	vld.idx.msk [tilespmem:v52+s3+$0x0], $0xffff  }
0x129: {  	s28 =	simm.s32 $0x4;
	s29 =	simm.s32 $0x5;
	v17 =	vadd.s32 v0, v17;
	v60 =	vand.u32 $0xF8, v58;
	v4 =	vperm.xlane v4, v27;
	v5 =	vld.idx.msk [tilespmem:v5+s3+$0x0], $0xffff  }
0x12a: {  	v11 =	vadd.bf16 v25, v6;
	v6 =	vmov s28;
	v25 =	vmov s29;
	v3 =	vld.idx.msk [tilespmem:v3+s3+$0x0], $0xffff  }
0x12b: {  	v21 =	vadd.bf16 v21, v36;
	v53 =	vand.u32 $0xF8, v6;
	v4 =	vadd.s32 v0, v4;
	v52 =	vld.idx.msk [tilespmem:v2+s3+$0x0], $0xffff  }
0x12c: {  	s30 =	simm.s32 $0x6;
	v54 =	vand.u32 $0xF8, v25;
	v25 =	vand.u32 $0x5, v25;
	v6 =	vand.u32 $0x4, v6;
	v56 =	vld.idx.msk [tilespmem:v43+s3+$0x0], $0xffff  }
0x12d: {  	v57 =	vadd.s32 v34, v54;
	v14 =	vadd.bf16 v24, v14;
	v24 =	vmov s30;
	v55 =	vld.idx.msk [tilespmem:v13+s3+$0x0], $0xffff  }
0x12e: {  	v17 =	vld.idx.msk [tilespmem:v17+s3+$0x0], $0xffff;
	v13 =	vadd.bf16 v39, v16;
	v16 =	vadd.s32 v34, v53;
	v21 =	vadd.bf16 v38, v21  }
0x12f: {  	v15 =	vadd.bf16 v42, v15;
	v6 =	vor.u32 v6, v16;
	v3 =	vadd.bf16 v3, v5;
	v5 =	vld.idx.msk [tilespmem:v18+s3+$0x0], $0xffff  }
0x130: {  	v38 =	vand.u32 $0x7, v58;
	v4 =	vld.idx.msk [tilespmem:v4+s3+$0x0], $0xffff;
	v12 =	vadd.bf16 v59, v12;
	v16 =	vor.u32 v25, v57  }
0x131: {  	v25 =	vld.idx.msk [tilespmem:v44+s3+$0x0], $0xffff;
	v18 =	vand.u32 $0xF8, v24;
	v24 =	vand.u32 $0x6, v24;
	v15 =	vadd.bf16 v40, v15  }
0x132: {  	v18 =	vadd.s32 v34, v18;
	v36 =	vadd.bf16 v52, v13;
	v14 =	vadd.bf16 v55, v14  }
0x133: {  	v3 =	vadd.bf16 v56, v3;
	v18 =	vor.u32 v24, v18;
	v24 =	vshll.u32 v15, $0x10  }
0x134: {  	v6 =	vld.idx.msk [tilespmem:v6+s9+$0x0], $0xffff;
	v5 =	vadd.bf16 v5, v22;
	v14 =	vadd.bf16 v19, v14;
	v19 =	vadd.s32 v34, v60  }
0x135: {  	v3 =	vadd.bf16 v17, v3;
	v39 =	vadd.f32 v24, v37;
	v17 =	vor.u32 v38, v19  }
0x136: {  	v16 =	vld.idx.msk [tilespmem:v16+s9+$0x0], $0xffff;
	v19 =	vadd.bf16 v25, v21;
	v4 =	vadd.bf16 v4, v5;
	v21 =	vshll.u32 v14, $0x10  }
0x137: {  	v14 =	vand.u32 $0xFFFF0000, v14;
	v41 =	vadd.f32 v21, v37;
	v21 =	vshll.u32 v3, $0x10  }
0x138: {  	v3 =	vand.u32 $0xFFFF0000, v3;
	v44 =	vadd.f32 v14, v37;
	v43 =	vadd.f32 v21, v37  }
0x139: {  	v40 =	vadd.f32 v3, v37;
	v3 =	vand.u32 $0xFFFF0000, v15;
	v6 =	vmul.u32 $0x11, v6  }
0x13a: {  	v15 =	vld.idx.msk [tilespmem:v20+s3+$0x0], $0xffff;
	v20 =	vshll.u32 v19, $0x10;
	v19 =	vand.u32 $0xFFFF0000, v19;
	v42 =	vadd.f32 v3, v37  }
0x13b: {  	v21 =	vld.idx.msk [tilespmem:v23+s3+$0x0], $0xffff;
	v3 =	vmul.u32 $0x11, v16;
	v14 =	vperm.xlane v6, v32;
	v16 =	vperm.xlane v6, v33  }
0x13c: {  	v45 =	vadd.f32 v20, v37;
	v17 =	vld.idx.msk [tilespmem:v17+s9+$0x0], $0xffff;
	v5 =	vperm.xlane v6, v28;
	v23 =	vperm.xlane v6, v30  }
0x13d: {  	v38 =	vadd.f32 v19, v37;
	v22 =	vperm.xlane v3, v28;
	v62 =	vperm.xlane v3, v27  }
0x13e: {  	v35 =	vperm.xlane v3, v1;
	v14 =	vadd.s32 v0, v14;
	v20 =	vadd.s32 v0, v23  }
0x13f: {  	v16 =	vadd.s32 v0, v16;
	v4 =	vadd.bf16 v15, v4;
	v15 =	vperm.xlane v3, v30  }
0x140: {  	v5 =	vadd.s32 v0, v5;
	v12 =	vadd.bf16 v21, v12;
	v21 =	vperm.xlane v6, v29  }
0x141: {  	v35 =	vadd.s32 v0, v35;
	v17 =	vmul.u32 $0x11, v17;
	v15 =	vadd.s32 v0, v15  }
0x142: {  	v18 =	vld.idx.msk [tilespmem:v18+s9+$0x0], $0xffff;
	v23 =	vand.u32 $0xFFFF0000, v12;
	v21 =	vadd.s32 v0, v21;
	v63 =	vand.u32 $0xFFFF0000, v4  }
0x143: {  	v24 =	vshll.u32 v4, $0x10;
	v47 =	vadd.f32 v63, v37;
	v63 =	vperm.xlane v3, v33;
	v7 =	vld.idx.msk [tilespmem:v14+s3+$0x0], $0xffff  }
0x144: {  	v12 =	vshll.u32 v12, $0x10;
	v25 =	vperm.xlane v17, v33;
	v61 =	vperm.xlane v17, v29;
	v20 =	vld.idx.msk [tilespmem:v20+s3+$0x0], $0xffff  }
0x145: {  	v46 =	vadd.f32 v23, v37;
	v2 =	vperm.xlane v17, v27;
	v14 =	vperm.xlane v6, v27;
	v53 =	vld.idx.msk [tilespmem:v5+s3+$0x0], $0xffff  }
0x146: {  	v19 =	vperm.xlane v17, v28;
	v10 =	vld.idx.msk [tilespmem:v16+s3+$0x0], $0xffff;
	v58 =	vadd.s32 v0, v63;
	v23 =	vadd.s32 v0, v25  }
0x147: {  	v59 =	vadd.s32 v0, v61;
	v2 =	vadd.s32 v0, v2;
	v61 =	vmul.u32 $0x11, v18;
	v18 =	vld.idx.msk [tilespmem:v48+s3+$0x0], $0xffff  }
0x148: {  	v63 =	vperm.xlane v17, v1;
	v25 =	vperm.xlane v17, v32;
	v60 =	vadd.s32 v0, v14;
	v14 =	vld.idx.msk [tilespmem:v35+s3+$0x0], $0xffff  }
0x149: {  	v57 =	vadd.s32 v0, v19;
	v19 =	vadd.s32 v0, v22;
	v22 =	vperm.xlane v17, v30;
	v35 =	vld.idx.msk [tilespmem:v50+s3+$0x0], $0xffff  }
0x14a: {  	v48 =	vadd.f32 v12, v37;
	v50 =	vadd.f32 v24, v37;
	v15 =	vld.idx.msk [tilespmem:v15+s3+$0x0], $0xffff;
	v16 =	vperm.xlane v61, v33  }
0x14b: {  	v51 =	vadd.s32 v0, v25;
	v25 =	vperm.xlane v6, v1;
	v9 =	vadd.s32 v0, v22;
	v49 =	vld.idx.msk [tilespmem:v23+s3+$0x0], $0xffff  }
0x14c: {  	v22 =	vperm.xlane v3, v29;
	v5 =	vadd.s32 v0, v16;
	v23 =	vperm.xlane v3, v32;
	v56 =	vld.idx.msk [tilespmem:v2+s3+$0x0], $0xffff  }
0x14d: {  	v8 =	vperm.xlane v61, v31;
	v13 =	vperm.xlane v61, v30;
	v2 =	vld.idx.msk [tilespmem:v21+s3+$0x0], $0xffff;
	v21 =	vadd.s32 v0, v25  }
0x14e: {  	v24 =	vperm.xlane v61, v28;
	v6 =	vperm.xlane v6, v31;
	v19 =	vld.idx.msk [tilespmem:v19+s3+$0x0], $0xffff;
	v23 =	vadd.s32 v0, v23  }
0x14f: {  	v4 =	vld.idx.msk [tilespmem:v58+s3+$0x0], $0xffff;
	v16 =	vperm.xlane v17, v31;
	v25 =	vadd.s32 v0, v62;
	v18 =	vadd.bf16 v18, v11  }
0x150: {  	v12 =	vadd.bf16 v15, v20;
	v15 =	vadd.s32 v0, v63;
	v20 =	vperm.xlane v61, v1;
	v17 =	vld.idx.msk [tilespmem:v9+s3+$0x0], $0xffff  }
0x151: {  	v54 =	vadd.s32 v0, v22;
	v11 =	vperm.xlane v61, v32;
	v35 =	vadd.bf16 v35, v18;
	v18 =	vld.idx.msk [tilespmem:v5+s3+$0x0], $0xffff  }
0x152: {  	v3 =	vperm.xlane v3, v31;
	v16 =	vadd.s32 v0, v16;
	v20 =	vadd.s32 v0, v20;
	v63 =	vld.idx.msk [tilespmem:v21+s3+$0x0], $0xffff  }
0x153: {  	v58 =	vadd.s32 v0, v11;
	v62 =	vadd.bf16 v19, v53;
	v53 =	vadd.s32 v0, v13;
	v55 =	vld.idx.msk [tilespmem:v23+s3+$0x0], $0xffff  }
0x154: {  	v22 =	vadd.s32 v0, v3;
	v3 =	vshll.u32 v36, $0x10;
	v11 =	vld.idx.msk [tilespmem:v25+s3+$0x0], $0xffff;
	v21 =	vand.u32 $0xFFFF0000, v36  }
0x155: {  	v19 =	vadd.bf16 v4, v10;
	v4 =	vperm.xlane v61, v29;
	v13 =	vld.idx.msk [tilespmem:v15+s3+$0x0], $0xffff;
	v23 =	vadd.s32 v0, v6  }
0x156: {  	v36 =	vand.u32 $0xFFFF0000, v35;
	v15 =	vadd.s32 v0, v24;
	v52 =	vadd.f32 v21, v37;
	v24 =	vld.idx.msk [tilespmem:v54+s3+$0x0], $0xffff  }
0x157: {  	v54 =	vadd.f32 v3, v37;
	v25 =	vadd.s32 v0, v4;
	v4 =	vshll.u32 v35, $0x10;
	v20 =	vld.idx.msk [tilespmem:v20+s3+$0x0], $0xffff  }
0x158: {  	s19 =	simm.s32 $0xB;
	v6 =	vadd.s32 v0, v8;
	v21 =	vld.idx.msk [tilespmem:v53+s3+$0x0], $0xffff;
	v53 =	vadd.f32 v4, v37;
	v55 =	vadd.bf16 v55, v7  }
.LBB2_9:
0x159: {  	s20 =	sadd.s32 $0xFFFFFFFD, s19;
	s21 =	sadd.s32 $0xFFFFFFFE, s19;
	v4 =	vperm.xlane v61, v27;
	v37 =	vadd.f32 v36, v37  }
0x15a: {  	s22 =	sadd.s32 $0xFFFFFFFF, s19;
	v3 =	vld.idx.msk [tilespmem:v23+s3+$0x0], $0xffff;
	v14 =	vadd.bf16 v14, v63;
	v5 =	vmov s20;
	v23 =	vmov s21  }
0x15b: {  	p0 =	sne.s32 s19, $0xC7;
	v63 =	vadd.bf16 v18, v19;
	v22 =	vld.idx.msk [tilespmem:v22+s3+$0x0], $0xffff;
	s20 =	smov.u32 s19;
	s19 =	sadd.s32 $0x4, s19;
	v35 =	vand.u32 $0xF8, v5;
	v36 =	vand.u32 $0xF8, v23  }
0x15c: {  	v25 =	vld.idx.msk [tilespmem:v25+s3+$0x0], $0xffff;
	v19 =	vand.u32 $0x5, v23;
	v14 =	vadd.bf16 v20, v14;
	v5 =	vand.u32 $0x4, v5  }
0x15d: {  	v4 =	vadd.s32 v0, v4;
	v49 =	vadd.bf16 v49, v63;
	v18 =	vadd.s32 v34, v35;
	v6 =	vld.idx.msk [tilespmem:v6+s3+$0x0], $0xffff  }
0x15e: {  	v20 =	vadd.s32 v34, v36;
	v12 =	vadd.bf16 v21, v12;
	v21 =	vld.idx.msk [tilespmem:v59+s3+$0x0], $0xffff;
	v5 =	vor.u32 v5, v18  }
0x15f: {  	v18 =	vor.u32 v19, v20;
	v2 =	vadd.bf16 v24, v2;
	v19 =	vmov s22;
	v16 =	vld.idx.msk [tilespmem:v16+s3+$0x0], $0xffff  }
0x160: {  	v20 =	vmov s20;
	v12 =	vadd.bf16 v17, v12;
	v17 =	vand.u32 $0xF8, v19  }
0x161: {  	v19 =	vand.u32 $0x6, v19;
	v3 =	vadd.bf16 v22, v3;
	v2 =	vadd.bf16 v25, v2  }
0x162: {  	v13 =	vadd.bf16 v13, v14;
	v17 =	vadd.s32 v34, v17;
	v22 =	vand.u32 $0xF8, v20;
	v15 =	vld.idx.msk [tilespmem:v15+s3+$0x0], $0xffff  }
0x163: {  	v20 =	vand.u32 $0x7, v20;
	v3 =	vadd.bf16 v6, v3;
	v23 =	vld.idx.msk [tilespmem:v60+s3+$0x0], $0xffff;
	v2 =	vadd.bf16 v21, v2  }
0x164: {  	v6 =	vor.u32 v19, v17;
	v17 =	vadd.s32 v34, v22;
	v19 =	vshll.u32 v12, $0x10;
	v5 =	vld.idx.msk [tilespmem:v5+s9+$0x0], $0xffff  }
0x165: {  	v17 =	vor.u32 v20, v17;
	v3 =	vadd.bf16 v16, v3;
	v18 =	vld.idx.msk [tilespmem:v18+s9+$0x0], $0xffff;
	v14 =	vshll.u32 v2, $0x10  }
0x166: {  	v39 =	vadd.f32 v19, v39;
	v2 =	vand.u32 $0xFFFF0000, v2;
	v4 =	vld.idx.msk [tilespmem:v4+s3+$0x0], $0xffff;
	v41 =	vadd.f32 v14, v41  }
0x167: {  	v14 =	vshll.u32 v3, $0x10;
	v3 =	vand.u32 $0xFFFF0000, v3;
	v44 =	vadd.f32 v2, v44;
	v16 =	vld.idx.msk [tilespmem:v57+s3+$0x0], $0xffff  }
0x168: {  	v43 =	vadd.f32 v14, v43;
	v40 =	vadd.f32 v3, v40  }
0x169: {  	v3 =	vand.u32 $0xFFFF0000, v12;
	v12 =	vshll.u32 v13, $0x10;
	v15 =	vadd.bf16 v15, v62  }
0x16a: {  	v11 =	vadd.bf16 v11, v23;
	v42 =	vadd.f32 v3, v42;
	v5 =	vmul.u32 $0x11, v5;
	v14 =	vld.idx.msk [tilespmem:v17+s9+$0x0], $0xffff  }
0x16b: {  	v13 =	vand.u32 $0xFFFF0000, v13;
	v45 =	vadd.f32 v12, v45;
	v3 =	vmul.u32 $0x11, v18;
	v6 =	vld.idx.msk [tilespmem:v6+s9+$0x0], $0xffff  }
0x16c: {  	v2 =	vperm.xlane v5, v32;
	v17 =	vperm.xlane v5, v33;
	v4 =	vadd.bf16 v4, v11  }
0x16d: {  	v11 =	vperm.xlane v5, v28;
	v18 =	vperm.xlane v3, v28;
	v15 =	vadd.bf16 v16, v15  }
0x16e: {  	v19 =	vperm.xlane v5, v30;
	v16 =	vperm.xlane v5, v29;
	v4 =	vadd.bf16 v56, v4  }
0x16f: {  	v38 =	vadd.f32 v13, v38;
	v20 =	vperm.xlane v3, v30;
	v2 =	vadd.s32 v0, v2  }
0x170: {  	v13 =	vperm.xlane v5, v27;
	v21 =	vperm.xlane v3, v27;
	v22 =	vmul.u32 $0x11, v14  }
0x171: {  	v12 =	vadd.s32 v0, v19;
	v19 =	vand.u32 $0xFFFF0000, v15;
	v14 =	vadd.s32 v0, v20  }
0x172: {  	v17 =	vadd.s32 v0, v17;
	v16 =	vadd.s32 v0, v16;
	v20 =	vperm.xlane v22, v33  }
0x173: {  	v11 =	vadd.s32 v0, v11;
	v46 =	vadd.f32 v19, v46;
	v23 =	vperm.xlane v22, v29  }
0x174: {  	v35 =	vperm.xlane v3, v1;
	v19 =	vadd.s32 v0, v20;
	v24 =	vld.idx.msk [tilespmem:v2+s3+$0x0], $0xffff;
	v2 =	vperm.xlane v22, v27  }
0x175: {  	v36 =	vperm.xlane v3, v32;
	v59 =	vadd.s32 v0, v23;
	v20 =	vperm.xlane v22, v28  }
0x176: {  	v25 =	vand.u32 $0xFFFF0000, v4;
	v23 =	vld.idx.msk [tilespmem:v14+s3+$0x0], $0xffff;
	v2 =	vadd.s32 v0, v2;
	v14 =	vperm.xlane v22, v32  }
0x177: {  	v56 =	vperm.xlane v3, v33;
	v47 =	vadd.f32 v25, v47;
	v57 =	vadd.s32 v0, v20;
	v12 =	vld.idx.msk [tilespmem:v12+s3+$0x0], $0xffff  }
0x178: {  	v4 =	vshll.u32 v4, $0x10;
	v61 =	vmul.u32 $0x11, v6;
	v6 =	vadd.s32 v0, v14;
	v20 =	vld.idx.msk [tilespmem:v58+s3+$0x0], $0xffff  }
0x179: {  	v14 =	vadd.s32 v0, v35;
	v35 =	vperm.xlane v22, v30;
	v25 =	vld.idx.msk [tilespmem:v11+s3+$0x0], $0xffff;
	v11 =	vperm.xlane v5, v1  }
0x17a: {  	v60 =	vadd.s32 v0, v13;
	v18 =	vadd.s32 v0, v18;
	v15 =	vshll.u32 v15, $0x10;
	v19 =	vld.idx.msk [tilespmem:v19+s3+$0x0], $0xffff  }
0x17b: {  	v62 =	vadd.s32 v0, v56;
	v35 =	vadd.s32 v0, v35;
	v7 =	vld.idx.msk [tilespmem:v17+s3+$0x0], $0xffff;
	v17 =	vperm.xlane v61, v33  }
0x17c: {  	v48 =	vadd.f32 v15, v48;
	v8 =	vperm.xlane v61, v31;
	v58 =	vperm.xlane v3, v29;
	v56 =	vld.idx.msk [tilespmem:v2+s3+$0x0], $0xffff  }
0x17d: {  	v15 =	vadd.s32 v0, v21;
	v2 =	vld.idx.msk [tilespmem:v16+s3+$0x0], $0xffff;
	v16 =	vadd.s32 v0, v36;
	v36 =	vperm.xlane v22, v1  }
0x17e: {  	v50 =	vadd.f32 v4, v50;
	v13 =	vperm.xlane v61, v1;
	v11 =	vadd.s32 v0, v11;
	v14 =	vld.idx.msk [tilespmem:v14+s3+$0x0], $0xffff  }
0x17f: {  	v3 =	vperm.xlane v3, v31;
	v12 =	vadd.bf16 v23, v12;
	v21 =	vld.idx.msk [tilespmem:v18+s3+$0x0], $0xffff;
	v18 =	vadd.s32 v0, v36  }
0x180: {  	v10 =	vadd.s32 v0, v13;
	v23 =	vperm.xlane v61, v30;
	v36 =	vperm.xlane v61, v32;
	v9 =	vld.idx.msk [tilespmem:v51+s3+$0x0], $0xffff  }
0x181: {  	v13 =	vperm.xlane v22, v31;
	v17 =	vadd.s32 v0, v17;
	v4 =	vld.idx.msk [tilespmem:v62+s3+$0x0], $0xffff;
	v62 =	vperm.xlane v61, v28  }
0x182: {  	v5 =	vperm.xlane v5, v31;
	v22 =	vadd.s32 v0, v3;
	v27 =	vadd.s32 v0, v23;
	v26 =	vld.idx.msk [tilespmem:v16+s3+$0x0], $0xffff  }
0x183: {  	v3 =	vperm.xlane v61, v29;
	v28 =	vadd.s32 v0, v58;
	v58 =	vadd.s32 v0, v36;
	v63 =	vld.idx.msk [tilespmem:v11+s3+$0x0], $0xffff  }
0x184: {  	v29 =	vshll.u32 v49, $0x10;
	v51 =	vmovc v6;
	v36 =	vand.u32 $0xFFFF0000, v49;
	v16 =	vadd.s32 v0, v13;
	v13 =	vld.idx.msk [tilespmem:v18+s3+$0x0], $0xffff  }
0x185: {  	v23 =	vadd.s32 v0, v5;
	v5 =	vadd.bf16 v20, v55;
	v11 =	vld.idx.msk [tilespmem:v15+s3+$0x0], $0xffff;
	v15 =	vadd.s32 v0, v62  }
.Ltmp4:
0x186: {  	v54 =	vadd.f32 v29, v54;
	v29 =	vimm.s32 $0x8;
	v49 =	vmov v19;
	v18 =	vld.idx.msk [tilespmem:v17+s3+$0x0], $0xffff;
	(pc) =	sbr.rel @p0 .LBB2_9-.Ltmp4, $4  }
0x187: {  	v6 =	vadd.s32 v0, v8;
	v62 =	vadd.bf16 v21, v25;
	v5 =	vadd.bf16 v9, v5;
	v17 =	vld.idx.msk [tilespmem:v35+s3+$0x0], $0xffff  }
0x188: {  	v52 =	vadd.f32 v36, v52;
	v25 =	vadd.s32 v0, v3;
	v19 =	vadd.bf16 v4, v7;
	v20 =	vld.idx.msk [tilespmem:v10+s3+$0x0], $0xffff  }
0x189: {  	v55 =	vadd.bf16 v26, v24;
	v3 =	vshll.u32 v5, $0x10;
	v21 =	vld.idx.msk [tilespmem:v27+s3+$0x0], $0xffff;
	v27 =	vimm.s32 $0x9  }
0x18a: {  	v36 =	vand.u32 $0xFFFF0000, v5;
	v53 =	vadd.f32 v3, v53;
	v24 =	vld.idx.msk [tilespmem:v28+s3+$0x0], $0xffff;
	v28 =	vimm.s32 $0xA  }
0x18b: {  	_ =	sdelay $0x3  }
0x18c: {  	v3 =	vld.idx.msk [tilespmem:v23+s3+$0x0], $0xffff  }
0x18d: {  	v4 =	vld.idx.msk [tilespmem:v22+s3+$0x0], $0xffff  }
0x18e: {  	v7 =	vld.idx.msk [tilespmem:v25+s3+$0x0], $0xffff  }
0x18f: {  	v6 =	vld.idx.msk [tilespmem:v6+s3+$0x0], $0xffff  }
0x190: {  	v15 =	vld.idx.msk [tilespmem:v15+s3+$0x0], $0xffff  }
0x191: {  	v9 =	vadd.f32 v36, v37;
	v36 =	vld.idx.msk [tilespmem:v58+s3+$0x0], $0xffff  }
0x192: {  	v14 =	vadd.bf16 v14, v63;
	v26 =	vld [tilespmem:$0x1FFF0]  }
0x193: {  	v63 =	vadd.bf16 v18, v19;
	v19 =	vld.idx.msk [tilespmem:v60+s3+$0x0], $0xffff;
	v12 =	vadd.bf16 v21, v12  }
0x194: {  	v5 =	vperm.xlane v61, v27;
	v25 =	vld [tilespmem:$0x1FEE0];
	v20 =	vadd.bf16 v20, v14;
	v2 =	vadd.bf16 v24, v2  }
0x195: {  	v3 =	vadd.bf16 v4, v3;
	v21 =	vadd.bf16 v17, v12  }
0x196: {  	v8 =	vld.idx.msk [tilespmem:v59+s3+$0x0], $0xffff;
	v5 =	vadd.s32 v0, v5;
	v35 =	vadd.bf16 v15, v62;
	v14 =	vadd.bf16 v36, v55  }
0x197: {  	v10 =	vld.idx.msk [tilespmem:v16+s3+$0x0], $0xffff;
	v4 =	vadd.bf16 v49, v63;
	v62 =	vor.u32 $0x100, v26;
	v63 =	vor.u32 $0x101, v26  }
0x198: {  	v22 =	vld.idx.msk [tilespmem:v57+s3+$0x0], $0xffff;
	v24 =	vor.u32 $0x140, v26;
	v49 =	vor.u32 $0x181, v26;
	v2 =	vadd.bf16 v7, v2  }
0x199: {  	v7 =	vadd.bf16 v11, v19;
	v36 =	vor.u32 v63, v25;
	v3 =	vadd.bf16 v6, v3  }
0x19a: {  	v6 =	vadd.bf16 v13, v20;
	v37 =	vshll.u32 v21, $0x10;
	v59 =	vand.u32 $0xFFFF0000, v4  }
0x19b: {  	v4 =	vshll.u32 v4, $0x10;
	v2 =	vadd.bf16 v8, v2;
	v8 =	vadd.f32 v37, v39  }
0x19c: {  	v19 =	vor.u32 v49, v25;
	v4 =	vadd.f32 v4, v54;
	v3 =	vadd.bf16 v10, v3  }
0x19d: {  	v5 =	vld.idx.msk [tilespmem:v5+s3+$0x0], $0xffff;
	v37 =	vor.u32 $0x120, v26;
	v39 =	vor.u32 $0x121, v26;
	v10 =	vadd.bf16 v22, v35  }
0x19e: {  	v20 =	vor.u32 v37, v25;
	v22 =	vor.u32 v39, v25;
	v34 =	vshll.u32 v3, $0x10  }
0x19f: {  	v23 =	vshll.u32 v2, $0x10;
	v2 =	vand.u32 $0xFFFF0000, v2;
	v11 =	vadd.f32 v34, v43;
	v43 =	vld.idx.msk [tilespmem:v51+s3+$0x0], $0xffff  }
0x1a0: {  	v12 =	vadd.f32 v23, v41;
	v3 =	vand.u32 $0xFFFF0000, v3;
	v41 =	vand.u32 $0xFFFF0000, v21  }
0x1a1: {  	v2 =	vadd.f32 v2, v44;
	v57 =	vand.u32 $0xFFFF0000, v10;
	v10 =	vshll.u32 v10, $0x10  }
0x1a2: {  	v44 =	vor.u32 $0x161, v26;
	v3 =	vadd.f32 v3, v40;
	v5 =	vadd.bf16 v5, v7  }
0x1a3: {  	v51 =	vshll.u32 v6, $0x10;
	v7 =	vadd.f32 v41, v42;
	v16 =	vadd.f32 v57, v46;
	v34 =	vld [tilespmem:$0x1FED0]  }
0x1a4: {  	v10 =	vadd.f32 v10, v48;
	v41 =	vor.u32 v24, v25;
	v13 =	vadd.bf16 v43, v14  }
0x1a5: {  	v24 =	vor.u32 $0x141, v26;
	v46 =	vor.u32 v44, v25;
	v15 =	vadd.f32 v51, v45  }
0x1a6: {  	v5 =	vadd.bf16 v56, v5;
	v60 =	vshll.u32 v13, $0x10;
	v13 =	vand.u32 $0xFFFF0000, v13  }
0x1a7: {  	v42 =	vor.u32 v24, v25;
	v9 =	vadd.f32 v13, v9;
	v13 =	vor.u32 v62, v25  }
0x1a8: {  	v51 =	vor.u32 $0x1A0, v26;
	v58 =	vand.u32 $0xFFFF0000, v5;
	v61 =	vperm.xlane v34, v29  }
0x1a9: {  	v5 =	vshll.u32 v5, $0x10;
	v17 =	vadd.f32 v58, v47;
	v35 =	vperm.xlane v34, v27  }
0x1aa: {  	v5 =	vadd.f32 v5, v50;
	v40 =	vperm.xlane v34, v28;
	v12 =	vmul.f32 v61, v12  }
0x1ab: {  	v14 =	vadd.f32 v59, v52;
	v50 =	vperm.xlane v34, v31;
	v2 =	vmul.f32 v61, v2  }
0x1ac: {  	v43 =	vor.u32 $0x160, v26;
	v52 =	vor.u32 v51, v25;
	v5 =	vmul.f32 v35, v5;
	[tilespmem:v13+s14+$0x0] =	vst.idx.msk $0xffff, v12  }
0x1ad: {  	v17 =	vmul.f32 v35, v17;
	v13 =	vor.u32 v43, v25;
	[tilespmem:v36+s14+$0x0] =	vst.idx.msk $0xffff, v2  }
0x1ae: {  	v47 =	vor.u32 $0x180, v26;
	v10 =	vmul.f32 v40, v10;
	v2 =	vperm.xlane v34, v30;
	[tilespmem:v20+s14+$0x0] =	vst.idx.msk $0xffff, v5  }
0x1af: {  	v48 =	vor.u32 v47, v25;
	v45 =	vmul.f32 v40, v16;
	[tilespmem:v22+s14+$0x0] =	vst.idx.msk $0xffff, v17  }
0x1b0: {  	v54 =	vperm.xlane v34, v32;
	v8 =	vmul.f32 v2, v8;
	[tilespmem:v41+s14+$0x0] =	vst.idx.msk $0xffff, v10  }
0x1b1: {  	v55 =	vor.u32 $0x1A1, v26;
	v63 =	vperm.xlane v34, v1;
	v2 =	vmul.f32 v2, v7;
	[tilespmem:v42+s14+$0x0] =	vst.idx.msk $0xffff, v45  }
0x1b2: {  	v56 =	vor.u32 $0x1C0, v26;
	v18 =	vadd.f32 v60, v53;
	v53 =	vmul.f32 v50, v11;
	[tilespmem:v13+s14+$0x0] =	vst.idx.msk $0xffff, v8  }
0x1b3: {  	v58 =	vor.u32 $0x1C1, v26;
	[tilespmem:v46+s14+$0x0] =	vst.idx.msk $0xffff, v2;
	v2 =	vmul.f32 v50, v3;
	v3 =	vor.u32 v55, v25  }
0x1b4: {  	v11 =	vor.u32 v58, v25;
	v10 =	vor.u32 v56, v25;
	[tilespmem:v48+s14+$0x0] =	vst.idx.msk $0xffff, v53  }
0x1b5: {  	v59 =	vor.u32 $0x1E0, v26;
	v57 =	vmul.f32 v54, v18;
	[tilespmem:v19+s14+$0x0] =	vst.idx.msk $0xffff, v2;
	v2 =	vperm.xlane v34, v33  }
0x1b6: {  	v61 =	vor.u32 v59, v25;
	v62 =	vor.u32 $0x1E1, v26;
	v60 =	vmul.f32 v54, v9  }
0x1b7: {  	v6 =	vand.u32 $0xFFFF0000, v6;
	v8 =	vor.u32 v62, v25;
	[tilespmem:v52+s14+$0x0] =	vst.idx.msk $0xffff, v57;
	v4 =	vmul.f32 v2, v4  }
0x1b8: {  	p0 =	sne.s32 s16, $0x20;
	v6 =	vadd.f32 v6, v38;
	v2 =	vmul.f32 v2, v14;
	[tilespmem:v3+s14+$0x0] =	vst.idx.msk $0xffff, v60  }
.Ltmp5:
0x1b9: {  	v3 =	vmul.f32 v63, v15;
	[tilespmem:v10+s14+$0x0] =	vst.idx.msk $0xffff, v4;
	(pc) =	sbr.rel @p0 .LBB2_2-.Ltmp5, $4  }
0x1ba: {  	[tilespmem:v11+s14+$0x0] =	vst.idx.msk $0xffff, v2;
	v2 =	vmul.f32 v63, v6  }
0x1bb: {  	s18 =	sshll.u32 s18, $0x6;
	s17 =	sshll.u32 s17, $0x9;
	[tilespmem:v61+s14+$0x0] =	vst.idx.msk $0xffff, v3  }
0x1bc: {  	s18 =	sadd.s32 s2, s18;
	s17 =	sadd.s32 $0x5B80, s17;
	v31 =	vimm.s32 $0xE;
	[tilespmem:v8+s14+$0x0] =	vst.idx.msk $0xffff, v2  }
0x1bd: {  	v1 =	vimm.s32 $0x0;
	v30 =	vimm.s32 $0xD;
	v33 =	vimm.s32 $0xF;
	[hbm4b:s18+s3] =	stream.linear.scatter [tilespmem:s17], [sflag:$0x2], $0x200, $0x38;
	[tilespmem:$0x5F90] =	vst v63  }
0x1be: {  	s15 =	sadd.s32 $0x1, s15  }
0x1bf: {  	_ =	swait.ge [sflag:s12], $0x200;
	p0 =	sne.s32 s15, s8  }
.Ltmp6:
0x1c0: {  	[sflag:s12] =	ssyncset.done $0x0;
	(pc) =	sbr.rel @p0 .LBB2_1-.Ltmp6, $4  }
0x1c1: {  	[sflag:s12] =	ssyncadd.s32 $0xFFFFFE00  }
0x1c2: {  	_ =	swait.ge [sflag:s12], $0x200  }
0x1c3: {  	[sflag:s12] =	ssyncset.done $0x0  }
0x1c4: {  	[sflag:s12] =	ssyncadd.s32 $0xFFFFFE00  }
0x1c5: {  	_ =	sfence.sel $0x180000  }
0x1c6: {  	[bflag:$0x0] =	sbarrier.arrive $0xFFFF  }
0x1c7: {  	p0 =	sne.s32 s0, $0x0;
	_ =	strace $0x90000047  }
0x1c8: {  	s0 =	sadd.s32 @!p0 $0x100000, s1;
	[bflag:$0x2] =	sbarrier.arrive $0xFFFF  }
0x1c9: {  	[sflag:s0] =	ssyncadd.tile.s32 @!p0 $0x1;
	_ =	shalt  }
.Lfunc_end2:
_tile_overlayer_lowered:
.L_overlay_start_2:
0x1ca: {  	(tag) =	ssettag $0x2  }
0x1cb: {  	s0 =	rddreg [dreg:$0x0];
	s2 =	stileid.u32  }
0x1cc: {  	s1 =	rddreg [dreg:$0x1];
	p0 =	sne.s32 s2, $0x0  }
0x1cd: {  	s3 =	rddreg [dreg:$0x2];
	[bflag:$0x3] =	sbarrier.arrive $0xFFFF;
	s2 =	simm.s32 @!p0 $0x1C03  }
0x1ce: {  	[timem:s3], [sflag:s2] =	dma.local @!p0 [hbm:s0], s1  }
0x1cf: {  	s0 =	simm.s32 @!p0 $0x3  }
0x1d0: {  	_ =	swait.ge @!p0 [sflag:s0], s1  }
0x1d1: {  	s1 =	ssub.s32 @!p0 $0x0, s1;
	[sflag:s0] =	ssyncset.done @!p0 $0x0  }
0x1d2: {  	[sflag:s0] =	ssyncadd.s32 @!p0 s1  }
0x1d3: {  	[bflag:$0x3] =	sbarrier.arrive $0xFFFF  }
0x1d4: {  	_ =	shalt  }

</sc_bundles>
